<compile_context>
chip_gen: v7x
topology: tpu7x:2x2x1
jax: 0.10.2.dev20260603
libtpu: 0.0.44.dev20260713+nightly
codegen_flags: <defaults>
</compile_context>

<pallas_src>
import functools

import jax
import jax.numpy as jnp
from jax import lax
from jax.experimental import pallas as pl
from jax.experimental.pallas import tpu as pltpu
from jax.experimental.pallas import tpu_sc as plsc

B = 16384
DIM = 16
ALL_DIM = 240
USER_NUM = 1000000
ITEM_NUM = 100000
NW = 32
CHUNK = 128
ROWS_PER_W = B // NW
N_CHUNK = ROWS_PER_W // CHUNK
BLK = 512
N_BLK = B // BLK

_WIDTHS = [8, 3, 21] + [19] * 10
_OFFS = []
_o = 0
for _w in _WIDTHS:
    _OFFS.append(_o)
    _o += _w
OH_DIM = _o
OH_PAD = 224
SMALL_DIM = 16 * 13


def _sc_gather(t_user, t_item, idx_all):
    mesh = plsc.VectorSubcoreMesh(core_axis_name="c", subcore_axis_name="s")

    @functools.partial(
        pl.kernel,
        out_type=[
            jax.ShapeDtypeStruct((B, DIM), jnp.float32),
            jax.ShapeDtypeStruct((B, DIM), jnp.float32),
        ],
        mesh=mesh,
        scratch_types=[
            pltpu.VMEM((2, N_CHUNK, CHUNK), jnp.int32),
            pltpu.VMEM((2, ROWS_PER_W, DIM), jnp.float32),
            pltpu.SemaphoreType.DMA,
        ],
        compiler_params=pltpu.CompilerParams(use_tc_tiling_on_sc=False),
    )
    def gather_k(tu, ti, idx_hbm, out_u, out_i, idx_v, rbuf, sem):
        wid = lax.axis_index("s") * 2 + lax.axis_index("c")
        pltpu.sync_copy(idx_hbm.at[wid], idx_v)
        copies = []
        for slot, table in ((0, tu), (1, ti)):
            for c in range(N_CHUNK):
                copies.append(pltpu.async_copy(
                    table.at[idx_v.at[slot, c]],
                    rbuf.at[slot, pl.ds(c * CHUNK, CHUNK)], sem))
        for cp in copies:
            cp.wait()
        base = wid * ROWS_PER_W
        pltpu.sync_copy(rbuf.at[0], out_u.at[pl.ds(base, ROWS_PER_W)])
        pltpu.sync_copy(rbuf.at[1], out_i.at[pl.ds(base, ROWS_PER_W)])

    return gather_k(t_user, t_item, idx_all)


def _tc_forward_body(uw_ref, iw_ref, idx_ref, y_ref, bd_ref,
                     W1, b1, W2, b2, W3, b3,
                     M1, c1, M2, c2, M3, c3, M4t, c4,
                     s_ref, sb_ref, loss_ref):
    colid = lax.broadcasted_iota(jnp.int32, (BLK, OH_PAD), 1)
    oh = jnp.zeros((BLK, OH_PAD), jnp.float32)
    for g in range(13):
        idxg = idx_ref[:, g:g + 1] + _OFFS[g]
        oh = oh + jnp.where(colid == idxg, 1.0, 0.0)
    small = jnp.dot(oh, bd_ref[...], preferred_element_type=jnp.float32)

    uw = uw_ref[...]
    iw = iw_ref[...]

    x0 = jnp.concatenate([uw, iw, small], axis=1)
    xl = x0
    for W, bb in ((W1, b1), (W2, b2), (W3, b3)):
        z = jnp.dot(xl, W[...], preferred_element_type=jnp.float32) + bb[...][None, :]
        xl = x0 * z + xl
    h = jnp.maximum(jnp.dot(xl, M1[...], preferred_element_type=jnp.float32)
                    + c1[...][None, :], 0.0)
    h = jnp.maximum(jnp.dot(h, M2[...], preferred_element_type=jnp.float32)
                    + c2[...][None, :], 0.0)
    h = jnp.maximum(jnp.dot(h, M3[...], preferred_element_type=jnp.float32)
                    + c3[...][None, :], 0.0)
    logit = jnp.sum(h * M4t[...], axis=1, keepdims=True) + c4[...][None, :]
    sig = 1.0 / (1.0 + jnp.exp(-logit))
    s_ref[...] = sig
    sb_ref[...] = jnp.broadcast_to(sig, (BLK, 128))
    y = y_ref[...]
    terms = y * jnp.log(sig + 1e-6) + (1.0 - y) * jnp.log(1.0 - sig + 1e-6)
    part = -jnp.sum(terms)

    @pl.when(pl.program_id(0) == 0)
    def _():
        loss_ref[...] = jnp.zeros_like(loss_ref)

    loss_ref[...] += jnp.full((1, 128), part, jnp.float32)


def _tc_forward(uw, iw, idx_small, y, bd,
                W1, b1, W2, b2, W3, b3, M1, c1, M2, c2, M3, c3, M4t, c4):
    full = lambda *shape: pl.BlockSpec(shape, lambda i: tuple(0 for _ in shape))
    return pl.pallas_call(
        _tc_forward_body,
        grid=(N_BLK,),
        in_specs=[
            pl.BlockSpec((BLK, DIM), lambda i: (i, 0)),
            pl.BlockSpec((BLK, DIM), lambda i: (i, 0)),
            pl.BlockSpec((BLK, 16), lambda i: (i, 0)),
            pl.BlockSpec((BLK, 1), lambda i: (i, 0)),
            full(OH_PAD, SMALL_DIM),
            full(ALL_DIM, ALL_DIM), full(ALL_DIM),
            full(ALL_DIM, ALL_DIM), full(ALL_DIM),
            full(ALL_DIM, ALL_DIM), full(ALL_DIM),
            full(ALL_DIM, 128), full(128),
            full(128, 64), full(64),
            full(64, 32), full(32),
            full(1, 32), full(1),
        ],
        out_specs=[
            pl.BlockSpec((BLK, 1), lambda i: (i, 0)),
            pl.BlockSpec((BLK, 128), lambda i: (i, 0)),
            pl.BlockSpec((1, 128), lambda i: (0, 0)),
        ],
        out_shape=[
            jax.ShapeDtypeStruct((B, 1), jnp.float32),
            jax.ShapeDtypeStruct((B, 128), jnp.float32),
            jax.ShapeDtypeStruct((1, 128), jnp.float32),
        ],
        compiler_params=pltpu.CompilerParams(
            dimension_semantics=("arbitrary",)),
    )(uw, iw, idx_small, y, bd, W1, b1, W2, b2, W3, b3,
      M1, c1, M2, c2, M3, c3, M4t, c4)


def _auc_body(si_ref, yp_ref, sb_ref, num_ref, npos_ref):
    si4 = si_ref[...]
    yp4 = yp_ref[...]
    part = jnp.float32(0.0)
    for pair in range(4):
        si_a = jnp.broadcast_to(si4[2 * pair:2 * pair + 1, :], (8, 128))
        si_b = jnp.broadcast_to(si4[2 * pair + 1:2 * pair + 2, :], (8, 128))

        def jb(jc, accs, si_a=si_a, si_b=si_b):
            acc_a, acc_b = accs
            jt = sb_ref[pl.ds(jc * 8, 8), :]
            acc_a = acc_a + jnp.where(jt < si_a, 1.0, 0.0)
            acc_b = acc_b + jnp.where(jt < si_b, 1.0, 0.0)
            return (acc_a, acc_b)

        acc_a, acc_b = lax.fori_loop(
            0, B // 8, jb,
            (jnp.zeros((8, 128), jnp.float32), jnp.zeros((8, 128), jnp.float32)),
            unroll=8)
        cnt_a = jnp.sum(acc_a, axis=0, keepdims=True)
        cnt_b = jnp.sum(acc_b, axis=0, keepdims=True)
        part += jnp.sum(yp4[2 * pair:2 * pair + 1, :] * cnt_a)
        part += jnp.sum(yp4[2 * pair + 1:2 * pair + 2, :] * cnt_b)
    pospart = jnp.sum(yp4)

    @pl.when(pl.program_id(0) == 0)
    def _():
        num_ref[...] = jnp.zeros_like(num_ref)
        npos_ref[...] = jnp.zeros_like(npos_ref)

    num_ref[...] += jnp.full((1, 128), part, jnp.float32)
    npos_ref[...] += jnp.full((1, 128), pospart, jnp.float32)


def _auc_kernel(s_mat, ypos_mat, s_bcast):
    return pl.pallas_call(
        _auc_body,
        grid=(B // 1024,),
        in_specs=[
            pl.BlockSpec((8, 128), lambda i: (i, 0)),
            pl.BlockSpec((8, 128), lambda i: (i, 0)),
            pl.BlockSpec((B, 128), lambda i: (0, 0)),
        ],
        out_specs=[
            pl.BlockSpec((1, 128), lambda i: (0, 0)),
            pl.BlockSpec((1, 128), lambda i: (0, 0)),
        ],
        out_shape=[
            jax.ShapeDtypeStruct((1, 128), jnp.float32),
            jax.ShapeDtypeStruct((1, 128), jnp.float32),
        ],
        compiler_params=pltpu.CompilerParams(
            dimension_semantics=("arbitrary",)),
    )(s_mat, ypos_mat, s_bcast)


def kernel(userid, itemid, user_age, gender, user_occupation, item_kind, label,
           emb_user, emb_item, emb_age, emb_gender, emb_occ, emb_kind,
           W_dcn1, b_dcn1, W_dcn2, b_dcn2, W_dcn3, b_dcn3,
           W_mlp1, b_mlp1, W_mlp2, b_mlp2, W_mlp3, b_mlp3, W_mlp4, b_mlp4):
    ui = jnp.concatenate([userid, itemid], axis=1).astype(jnp.int32)
    idx_all = ui.T.reshape(2, NW, N_CHUNK, CHUNK).transpose(1, 0, 2, 3)

    uw, iw = _sc_gather(emb_user, emb_item, idx_all)

    idx_small = jnp.concatenate(
        [user_age.astype(jnp.int32), gender.astype(jnp.int32),
         user_occupation.astype(jnp.int32), item_kind.astype(jnp.int32),
         jnp.zeros((B, 3), jnp.int32)], axis=1)

    emb_kind_z = emb_kind.at[0].set(0.0)
    bd = jnp.zeros((OH_PAD, SMALL_DIM), jnp.float32)
    small_tabs = [emb_age, emb_gender, emb_occ] + [emb_kind_z] * 10
    for g in range(13):
        bd = lax.dynamic_update_slice(bd, small_tabs[g], (_OFFS[g], 16 * g))

    y = label.astype(jnp.float32)
    s_col, s_bcast, loss_vec = _tc_forward(
        uw, iw, idx_small, y, bd,
        W_dcn1, b_dcn1, W_dcn2, b_dcn2, W_dcn3, b_dcn3,
        W_mlp1, b_mlp1, W_mlp2, b_mlp2, W_mlp3, b_mlp3,
        W_mlp4.T, b_mlp4)

    s_mat = s_col.reshape(B // 128, 128)
    ypos_mat = y.reshape(B // 128, 128)
    num_vec, npos_vec = _auc_kernel(s_mat, ypos_mat, s_bcast)

    loss = loss_vec[0, 0] / jnp.float32(B)
    npos = npos_vec[0, 0]
    nneg = jnp.float32(B) - npos
    numerator = num_vec[0, 0] - npos * (npos - 1.0) / 2.0
    auc = numerator / (npos * nneg)
    return (loss, auc)

# --- scband reference (transcript-rebuilt; emitter-appended) ---
"""Pipeline reference for scband-dcnv2-sort-model-4105988735645 (READ-ONLY COPY).

The authoritative reference and input builder live on the scoring server;
editing this copy changes nothing except your own understanding.
"""

import jax, jax.numpy as jnp
import numpy as np

B = 16384
DIM = 16
USER_NUM = 1000000
ITEM_NUM = 100000
AGE_NUM = 8
GENDER_NUM = 3
OCC_NUM = 21
KIND_NUM = 19
ALL_DIM = DIM * 15


def setup_inputs(seed: int = 0):
    key = jax.random.key(seed)
    ks = jax.random.split(key, 32)
    inp = {}
    inp["userid"] = jax.random.randint(ks[0], (B, 1), 0, USER_NUM)
    inp["itemid"] = jax.random.randint(ks[1], (B, 1), 0, ITEM_NUM)
    inp["user_age"] = jax.random.randint(ks[2], (B, 1), 0, AGE_NUM)
    inp["gender"] = jax.random.randint(ks[3], (B, 1), 0, GENDER_NUM)
    inp["user_occupation"] = jax.random.randint(ks[4], (B, 1), 0, OCC_NUM)
    inp["item_kind"] = jax.random.randint(ks[5], (B, 10), 0, KIND_NUM)
    inp["label"] = jax.random.randint(ks[6], (B, 1), 0, 2)
    inp["emb_user"] = jax.random.normal(ks[7], (USER_NUM, DIM), dtype=jnp.float32) * 0.02
    inp["emb_item"] = jax.random.normal(ks[8], (ITEM_NUM, DIM), dtype=jnp.float32) * 0.02
    inp["emb_age"] = jax.random.normal(ks[9], (AGE_NUM, DIM), dtype=jnp.float32) * 0.02
    inp["emb_gender"] = jax.random.normal(ks[10], (GENDER_NUM, DIM), dtype=jnp.float32) * 0.02
    inp["emb_occ"] = jax.random.normal(ks[11], (OCC_NUM, DIM), dtype=jnp.float32) * 0.02
    inp["emb_kind"] = jax.random.normal(ks[12], (KIND_NUM, DIM), dtype=jnp.float32) * 0.02
    for i in range(3):
        inp[f"W_dcn{i+1}"] = jax.random.normal(ks[13 + i], (ALL_DIM, ALL_DIM), dtype=jnp.float32) * (1.0 / np.sqrt(ALL_DIM))
        inp[f"b_dcn{i+1}"] = jnp.zeros((ALL_DIM,), dtype=jnp.float32)
    dims = [(ALL_DIM, 128), (128, 64), (64, 32), (32, 1)]
    for i, (di, do) in enumerate(dims):
        inp[f"W_mlp{i+1}"] = jax.random.normal(ks[16 + i], (di, do), dtype=jnp.float32) * (1.0 / np.sqrt(di))
        inp[f"b_mlp{i+1}"] = jnp.zeros((do,), dtype=jnp.float32)
    return inp


def _get_logit(userid, itemid, user_age, gender, user_occupation, item_kind,
               emb_user, emb_item, emb_age, emb_gender, emb_occ, emb_kind,
               W_dcn1, b_dcn1, W_dcn2, b_dcn2, W_dcn3, b_dcn3,
               W_mlp1, b_mlp1, W_mlp2, b_mlp2, W_mlp3, b_mlp3, W_mlp4, b_mlp4):
    b = userid.shape[0]
    uw = jnp.take(emb_user, userid, axis=0)
    iw = jnp.take(emb_item, itemid, axis=0)
    aw = jnp.take(emb_age, user_age, axis=0)
    gw = jnp.take(emb_gender, gender, axis=0)
    ow = jnp.take(emb_occ, user_occupation, axis=0)
    kw = jnp.take(emb_kind, item_kind, axis=0)
    weight_tensor = (item_kind != 0).astype(kw.dtype)[..., None]
    kw = kw * weight_tensor
    all_feature = jnp.concatenate([uw, iw, aw, gw, ow, kw], axis=1).reshape(b, -1)
    x0 = all_feature
    xl = all_feature
    for W, bb in ((W_dcn1, b_dcn1), (W_dcn2, b_dcn2), (W_dcn3, b_dcn3)):
        xl = x0 * (xl @ W + bb) + xl
    h = jax.nn.relu(xl @ W_mlp1 + b_mlp1)
    h = jax.nn.relu(h @ W_mlp2 + b_mlp2)
    h = jax.nn.relu(h @ W_mlp3 + b_mlp3)
    logit = h @ W_mlp4 + b_mlp4
    return logit


def _auc(logit, y):
    s = logit.reshape(-1)
    yy = y.reshape(-1)
    n = s.shape[0]
    order = jnp.argsort(s)
    ranks = jnp.zeros((n,), dtype=jnp.float32).at[order].set(jnp.arange(1, n + 1, dtype=jnp.float32))
    n_pos = jnp.sum(yy)
    n_neg = n - n_pos
    return (jnp.sum(ranks * yy) - n_pos * (n_pos + 1.0) / 2.0) / (n_pos * n_neg)


def reference(userid, itemid, user_age, gender, user_occupation, item_kind, label,
              emb_user, emb_item, emb_age, emb_gender, emb_occ, emb_kind,
              W_dcn1, b_dcn1, W_dcn2, b_dcn2, W_dcn3, b_dcn3,
              W_mlp1, b_mlp1, W_mlp2, b_mlp2, W_mlp3, b_mlp3, W_mlp4, b_mlp4):
    logit = jax.nn.sigmoid(_get_logit(userid, itemid, user_age, gender, user_occupation, item_kind,
                                      emb_user, emb_item, emb_age, emb_gender, emb_occ, emb_kind,
                                      W_dcn1, b_dcn1, W_dcn2, b_dcn2, W_dcn3, b_dcn3,
                                      W_mlp1, b_mlp1, W_mlp2, b_mlp2, W_mlp3, b_mlp3, W_mlp4, b_mlp4))
    y = label.astype(jnp.float32)
    loss = (-(y * jnp.log(logit + 1e-06) + (1 - y) * jnp.log(1 - logit + 1e-06))).sum() / y.shape[0]
    auc = _auc(logit, y)
    return (loss, auc)

if __name__ == "__main__":
    import jax
    _d = setup_inputs()
    print(jax.jit(kernel)(*tuple(_d.values())))

</pallas_src>

<mosaic_0001>
#map = affine_map<(d0, d1) -> (0, 0)>
#map1 = affine_map<(d0, d1) -> (0, 0, 0, 0)>
module attributes {stable_mosaic.version = 14 : i64} {
  func.func @gather_k(%arg0: i32, %arg1: i32, %arg2: memref<1000000x16xf32, #tpu.memory_space<hbm>>, %arg3: memref<100000x16xf32, #tpu.memory_space<hbm>>, %arg4: memref<32x2x4x128xi32, #tpu.memory_space<hbm>>, %arg5: memref<16384x16xf32, #tpu.memory_space<hbm>>, %arg6: memref<16384x16xf32, #tpu.memory_space<hbm>>, %arg7: memref<2x4x128xi32, #tpu.memory_space<vmem>>, %arg8: memref<2x512x16xf32, #tpu.memory_space<vmem>>, %arg9: memref<!tpu.dma_semaphore, #tpu.memory_space<semaphore_mem>>) attributes {dimension_semantics = [#tpu.dimension_semantics<core_parallel>, #tpu.dimension_semantics<subcore_parallel>], iteration_bounds = array<i64: 2, 16>, scalar_prefetch = 0 : i64, scratch_operands = 3 : i64, tpu.core_type = #tpu.core_type<sc_vector_subcore>, window_params = [{transform_indices = #map}, {transform_indices = #map}, {transform_indices = #map1}, {transform_indices = #map}, {transform_indices = #map}]} {
    %mul3A = arith.constant 2 : i32
    %mul3A_0 = arith.muli %arg1, %mul3A : i32
    %add3A = arith.addi %mul3A_0, %arg0 : i32
    "tpu.region"() ({
      %run_scoped3A_210 = tpu.sem_alloc : memref<!tpu.dma_semaphore, #tpu.memory_space<semaphore_mem>>
      %dma_start3A_211 = arith.constant 0 : i32
      %dma_start3A_212 = arith.constant 0 : i32
      %dma_start3A_213 = arith.constant 0 : i32
      %dma_start3A_214 = tpu.memref_slice %arg4[%add3A, %dma_start3A_211, %dma_start3A_212, %dma_start3A_213] : memref<32x2x4x128xi32, #tpu.memory_space<hbm>> -> memref<1x2x4x128xi32, #tpu.memory_space<hbm>>
      %dma_start3A_215 = tpu.memref_squeeze %dma_start3A_214 : memref<1x2x4x128xi32, #tpu.memory_space<hbm>> -> memref<2x4x128xi32, #tpu.memory_space<hbm>>
      %dma_start3A_216 = arith.constant 0 : i32
      %dma_start3A_217 = arith.constant 0 : i32
      %dma_start3A_218 = arith.constant 0 : i32
      %dma_start3A_219 = tpu.memref_slice %arg4[%add3A, %dma_start3A_216, %dma_start3A_217, %dma_start3A_218] : memref<32x2x4x128xi32, #tpu.memory_space<hbm>> -> memref<1x2x4x128xi32, #tpu.memory_space<hbm>>
      %dma_start3A_220 = tpu.memref_squeeze %dma_start3A_219 : memref<1x2x4x128xi32, #tpu.memory_space<hbm>> -> memref<2x4x128xi32, #tpu.memory_space<hbm>>
      tpu.enqueue_dma source(%dma_start3A_220 : memref<2x4x128xi32, #tpu.memory_space<hbm>>) target(%arg7 : memref<2x4x128xi32, #tpu.memory_space<vmem>>) target_semaphore(%run_scoped3A_210 : memref<!tpu.dma_semaphore, #tpu.memory_space<semaphore_mem>>)
      %dma_wait3A_221 = arith.constant 0 : i32
      %dma_wait3A_222 = arith.constant 0 : i32
      %dma_wait3A_223 = arith.constant 0 : i32
      %dma_wait3A_224 = tpu.memref_slice %arg4[%add3A, %dma_wait3A_221, %dma_wait3A_222, %dma_wait3A_223] : memref<32x2x4x128xi32, #tpu.memory_space<hbm>> -> memref<1x2x4x128xi32, #tpu.memory_space<hbm>>
      %dma_wait3A_225 = tpu.memref_squeeze %dma_wait3A_224 : memref<1x2x4x128xi32, #tpu.memory_space<hbm>> -> memref<2x4x128xi32, #tpu.memory_space<hbm>>
      %dma_wait3A_226 = arith.constant 0 : i32
      %dma_wait3A_227 = arith.constant 0 : i32
      %dma_wait3A_228 = arith.constant 0 : i32
      %dma_wait3A_229 = tpu.memref_slice %arg4[%add3A, %dma_wait3A_226, %dma_wait3A_227, %dma_wait3A_228] : memref<32x2x4x128xi32, #tpu.memory_space<hbm>> -> memref<1x2x4x128xi32, #tpu.memory_space<hbm>>
      %dma_wait3A_230 = tpu.memref_squeeze %dma_wait3A_229 : memref<1x2x4x128xi32, #tpu.memory_space<hbm>> -> memref<2x4x128xi32, #tpu.memory_space<hbm>>
      tpu.wait_dma2 semaphore(%run_scoped3A_210 : memref<!tpu.dma_semaphore, #tpu.memory_space<semaphore_mem>>) src(%dma_wait3A_230 : memref<2x4x128xi32, #tpu.memory_space<hbm>>) dst(%arg7 : memref<2x4x128xi32, #tpu.memory_space<vmem>>)
      tpu.yield
    }) : () -> ()
    %dma_start3A = arith.constant 0 : i32
    %dma_start3A_1 = arith.constant 0 : i32
    %dma_start3A_2 = arith.constant 0 : i32
    %dma_start3A_3 = arith.constant 0 : i32
    %dma_start3A_4 = arith.constant 0 : i32
    %dma_start3A_5 = tpu.memref_slice %arg8[%dma_start3A_2, %dma_start3A_3, %dma_start3A_4] : memref<2x512x16xf32, #tpu.memory_space<vmem>> -> memref<1x128x16xf32, #tpu.memory_space<vmem>>
    %dma_start3A_6 = tpu.memref_squeeze %dma_start3A_5 : memref<1x128x16xf32, #tpu.memory_space<vmem>> -> memref<128x16xf32, #tpu.memory_space<vmem>>
    %dma_start3A_7 = arith.constant 0 : i32
    %dma_start3A_8 = tpu.memref_slice %arg7[%dma_start3A, %dma_start3A_1, %dma_start3A_7] : memref<2x4x128xi32, #tpu.memory_space<vmem>> -> memref<1x1x128xi32, #tpu.memory_space<vmem>>
    %dma_start3A_9 = tpu.memref_squeeze %dma_start3A_8 : memref<1x1x128xi32, #tpu.memory_space<vmem>> -> memref<128xi32, #tpu.memory_space<vmem>>
    %dma_start3A_10 = arith.constant 0 : i32
    %dma_start3A_11 = arith.constant 0 : i32
    %dma_start3A_12 = tpu.memref_slice %arg2[%dma_start3A_10, %dma_start3A_11] : memref<1000000x16xf32, #tpu.memory_space<hbm>> -> memref<1000000x16xf32, #tpu.memory_space<hbm>>
    tpu.enqueue_indirect_dma source(%dma_start3A_12 : memref<1000000x16xf32, #tpu.memory_space<hbm>>) target(%dma_start3A_6 : memref<128x16xf32, #tpu.memory_space<vmem>>) offsets(%dma_start3A_9 : memref<128xi32, #tpu.memory_space<vmem>>) semaphore(%arg9 : memref<!tpu.dma_semaphore, #tpu.memory_space<semaphore_mem>>)
    %dma_start3A_13 = arith.constant 0 : i32
    %dma_start3A_14 = arith.constant 1 : i32
    %dma_start3A_15 = arith.constant 0 : i32
    %dma_start3A_16 = arith.constant 128 : i32
    %dma_start3A_17 = arith.constant 0 : i32
    %dma_start3A_18 = tpu.memref_slice %arg8[%dma_start3A_15, %dma_start3A_16, %dma_start3A_17] : memref<2x512x16xf32, #tpu.memory_space<vmem>> -> memref<1x128x16xf32, #tpu.memory_space<vmem>>
    %dma_start3A_19 = tpu.memref_squeeze %dma_start3A_18 : memref<1x128x16xf32, #tpu.memory_space<vmem>> -> memref<128x16xf32, #tpu.memory_space<vmem>>
    %dma_start3A_20 = arith.constant 0 : i32
    %dma_start3A_21 = tpu.memref_slice %arg7[%dma_start3A_13, %dma_start3A_14, %dma_start3A_20] : memref<2x4x128xi32, #tpu.memory_space<vmem>> -> memref<1x1x128xi32, #tpu.memory_space<vmem>>
    %dma_start3A_22 = tpu.memref_squeeze %dma_start3A_21 : memref<1x1x128xi32, #tpu.memory_space<vmem>> -> memref<128xi32, #tpu.memory_space<vmem>>
    %dma_start3A_23 = arith.constant 0 : i32
    %dma_start3A_24 = arith.constant 0 : i32
    %dma_start3A_25 = tpu.memref_slice %arg2[%dma_start3A_23, %dma_start3A_24] : memref<1000000x16xf32, #tpu.memory_space<hbm>> -> memref<1000000x16xf32, #tpu.memory_space<hbm>>
    tpu.enqueue_indirect_dma source(%dma_start3A_25 : memref<1000000x16xf32, #tpu.memory_space<hbm>>) target(%dma_start3A_19 : memref<128x16xf32, #tpu.memory_space<vmem>>) offsets(%dma_start3A_22 : memref<128xi32, #tpu.memory_space<vmem>>) semaphore(%arg9 : memref<!tpu.dma_semaphore, #tpu.memory_space<semaphore_mem>>)
    %dma_start3A_26 = arith.constant 0 : i32
    %dma_start3A_27 = arith.constant 2 : i32
    %dma_start3A_28 = arith.constant 0 : i32
    %dma_start3A_29 = arith.constant 256 : i32
    %dma_start3A_30 = arith.constant 0 : i32
    %dma_start3A_31 = tpu.memref_slice %arg8[%dma_start3A_28, %dma_start3A_29, %dma_start3A_30] : memref<2x512x16xf32, #tpu.memory_space<vmem>> -> memref<1x128x16xf32, #tpu.memory_space<vmem>>
    %dma_start3A_32 = tpu.memref_squeeze %dma_start3A_31 : memref<1x128x16xf32, #tpu.memory_space<vmem>> -> memref<128x16xf32, #tpu.memory_space<vmem>>
    %dma_start3A_33 = arith.constant 0 : i32
    %dma_start3A_34 = tpu.memref_slice %arg7[%dma_start3A_26, %dma_start3A_27, %dma_start3A_33] : memref<2x4x128xi32, #tpu.memory_space<vmem>> -> memref<1x1x128xi32, #tpu.memory_space<vmem>>
    %dma_start3A_35 = tpu.memref_squeeze %dma_start3A_34 : memref<1x1x128xi32, #tpu.memory_space<vmem>> -> memref<128xi32, #tpu.memory_space<vmem>>
    %dma_start3A_36 = arith.constant 0 : i32
    %dma_start3A_37 = arith.constant 0 : i32
    %dma_start3A_38 = tpu.memref_slice %arg2[%dma_start3A_36, %dma_start3A_37] : memref<1000000x16xf32, #tpu.memory_space<hbm>> -> memref<1000000x16xf32, #tpu.memory_space<hbm>>
    tpu.enqueue_indirect_dma source(%dma_start3A_38 : memref<1000000x16xf32, #tpu.memory_space<hbm>>) target(%dma_start3A_32 : memref<128x16xf32, #tpu.memory_space<vmem>>) offsets(%dma_start3A_35 : memref<128xi32, #tpu.memory_space<vmem>>) semaphore(%arg9 : memref<!tpu.dma_semaphore, #tpu.memory_space<semaphore_mem>>)
    %dma_start3A_39 = arith.constant 0 : i32
    %dma_start3A_40 = arith.constant 3 : i32
    %dma_start3A_41 = arith.constant 0 : i32
    %dma_start3A_42 = arith.constant 384 : i32
    %dma_start3A_43 = arith.constant 0 : i32
    %dma_start3A_44 = tpu.memref_slice %arg8[%dma_start3A_41, %dma_start3A_42, %dma_start3A_43] : memref<2x512x16xf32, #tpu.memory_space<vmem>> -> memref<1x128x16xf32, #tpu.memory_space<vmem>>
    %dma_start3A_45 = tpu.memref_squeeze %dma_start3A_44 : memref<1x128x16xf32, #tpu.memory_space<vmem>> -> memref<128x16xf32, #tpu.memory_space<vmem>>
    %dma_start3A_46 = arith.constant 0 : i32
    %dma_start3A_47 = tpu.memref_slice %arg7[%dma_start3A_39, %dma_start3A_40, %dma_start3A_46] : memref<2x4x128xi32, #tpu.memory_space<vmem>> -> memref<1x1x128xi32, #tpu.memory_space<vmem>>
    %dma_start3A_48 = tpu.memref_squeeze %dma_start3A_47 : memref<1x1x128xi32, #tpu.memory_space<vmem>> -> memref<128xi32, #tpu.memory_space<vmem>>
    %dma_start3A_49 = arith.constant 0 : i32
    %dma_start3A_50 = arith.constant 0 : i32
    %dma_start3A_51 = tpu.memref_slice %arg2[%dma_start3A_49, %dma_start3A_50] : memref<1000000x16xf32, #tpu.memory_space<hbm>> -> memref<1000000x16xf32, #tpu.memory_space<hbm>>
    tpu.enqueue_indirect_dma source(%dma_start3A_51 : memref<1000000x16xf32, #tpu.memory_space<hbm>>) target(%dma_start3A_45 : memref<128x16xf32, #tpu.memory_space<vmem>>) offsets(%dma_start3A_48 : memref<128xi32, #tpu.memory_space<vmem>>) semaphore(%arg9 : memref<!tpu.dma_semaphore, #tpu.memory_space<semaphore_mem>>)
    %dma_start3A_52 = arith.constant 1 : i32
    %dma_start3A_53 = arith.constant 0 : i32
    %dma_start3A_54 = arith.constant 1 : i32
    %dma_start3A_55 = arith.constant 0 : i32
    %dma_start3A_56 = arith.constant 0 : i32
    %dma_start3A_57 = tpu.memref_slice %arg8[%dma_start3A_54, %dma_start3A_55, %dma_start3A_56] : memref<2x512x16xf32, #tpu.memory_space<vmem>> -> memref<1x128x16xf32, #tpu.memory_space<vmem>>
    %dma_start3A_58 = tpu.memref_squeeze %dma_start3A_57 : memref<1x128x16xf32, #tpu.memory_space<vmem>> -> memref<128x16xf32, #tpu.memory_space<vmem>>
    %dma_start3A_59 = arith.constant 0 : i32
    %dma_start3A_60 = tpu.memref_slice %arg7[%dma_start3A_52, %dma_start3A_53, %dma_start3A_59] : memref<2x4x128xi32, #tpu.memory_space<vmem>> -> memref<1x1x128xi32, #tpu.memory_space<vmem>>
    %dma_start3A_61 = tpu.memref_squeeze %dma_start3A_60 : memref<1x1x128xi32, #tpu.memory_space<vmem>> -> memref<128xi32, #tpu.memory_space<vmem>>
    %dma_start3A_62 = arith.constant 0 : i32
    %dma_start3A_63 = arith.constant 0 : i32
    %dma_start3A_64 = tpu.memref_slice %arg3[%dma_start3A_62, %dma_start3A_63] : memref<100000x16xf32, #tpu.memory_space<hbm>> -> memref<100000x16xf32, #tpu.memory_space<hbm>>
    tpu.enqueue_indirect_dma source(%dma_start3A_64 : memref<100000x16xf32, #tpu.memory_space<hbm>>) target(%dma_start3A_58 : memref<128x16xf32, #tpu.memory_space<vmem>>) offsets(%dma_start3A_61 : memref<128xi32, #tpu.memory_space<vmem>>) semaphore(%arg9 : memref<!tpu.dma_semaphore, #tpu.memory_space<semaphore_mem>>)
    %dma_start3A_65 = arith.constant 1 : i32
    %dma_start3A_66 = arith.constant 1 : i32
    %dma_start3A_67 = arith.constant 1 : i32
    %dma_start3A_68 = arith.constant 128 : i32
    %dma_start3A_69 = arith.constant 0 : i32
    %dma_start3A_70 = tpu.memref_slice %arg8[%dma_start3A_67, %dma_start3A_68, %dma_start3A_69] : memref<2x512x16xf32, #tpu.memory_space<vmem>> -> memref<1x128x16xf32, #tpu.memory_space<vmem>>
    %dma_start3A_71 = tpu.memref_squeeze %dma_start3A_70 : memref<1x128x16xf32, #tpu.memory_space<vmem>> -> memref<128x16xf32, #tpu.memory_space<vmem>>
    %dma_start3A_72 = arith.constant 0 : i32
    %dma_start3A_73 = tpu.memref_slice %arg7[%dma_start3A_65, %dma_start3A_66, %dma_start3A_72] : memref<2x4x128xi32, #tpu.memory_space<vmem>> -> memref<1x1x128xi32, #tpu.memory_space<vmem>>
    %dma_start3A_74 = tpu.memref_squeeze %dma_start3A_73 : memref<1x1x128xi32, #tpu.memory_space<vmem>> -> memref<128xi32, #tpu.memory_space<vmem>>
    %dma_start3A_75 = arith.constant 0 : i32
    %dma_start3A_76 = arith.constant 0 : i32
    %dma_start3A_77 = tpu.memref_slice %arg3[%dma_start3A_75, %dma_start3A_76] : memref<100000x16xf32, #tpu.memory_space<hbm>> -> memref<100000x16xf32, #tpu.memory_space<hbm>>
    tpu.enqueue_indirect_dma source(%dma_start3A_77 : memref<100000x16xf32, #tpu.memory_space<hbm>>) target(%dma_start3A_71 : memref<128x16xf32, #tpu.memory_space<vmem>>) offsets(%dma_start3A_74 : memref<128xi32, #tpu.memory_space<vmem>>) semaphore(%arg9 : memref<!tpu.dma_semaphore, #tpu.memory_space<semaphore_mem>>)
    %dma_start3A_78 = arith.constant 1 : i32
    %dma_start3A_79 = arith.constant 2 : i32
    %dma_start3A_80 = arith.constant 1 : i32
    %dma_start3A_81 = arith.constant 256 : i32
    %dma_start3A_82 = arith.constant 0 : i32
    %dma_start3A_83 = tpu.memref_slice %arg8[%dma_start3A_80, %dma_start3A_81, %dma_start3A_82] : memref<2x512x16xf32, #tpu.memory_space<vmem>> -> memref<1x128x16xf32, #tpu.memory_space<vmem>>
    %dma_start3A_84 = tpu.memref_squeeze %dma_start3A_83 : memref<1x128x16xf32, #tpu.memory_space<vmem>> -> memref<128x16xf32, #tpu.memory_space<vmem>>
    %dma_start3A_85 = arith.constant 0 : i32
    %dma_start3A_86 = tpu.memref_slice %arg7[%dma_start3A_78, %dma_start3A_79, %dma_start3A_85] : memref<2x4x128xi32, #tpu.memory_space<vmem>> -> memref<1x1x128xi32, #tpu.memory_space<vmem>>
    %dma_start3A_87 = tpu.memref_squeeze %dma_start3A_86 : memref<1x1x128xi32, #tpu.memory_space<vmem>> -> memref<128xi32, #tpu.memory_space<vmem>>
    %dma_start3A_88 = arith.constant 0 : i32
    %dma_start3A_89 = arith.constant 0 : i32
    %dma_start3A_90 = tpu.memref_slice %arg3[%dma_start3A_88, %dma_start3A_89] : memref<100000x16xf32, #tpu.memory_space<hbm>> -> memref<100000x16xf32, #tpu.memory_space<hbm>>
    tpu.enqueue_indirect_dma source(%dma_start3A_90 : memref<100000x16xf32, #tpu.memory_space<hbm>>) target(%dma_start3A_84 : memref<128x16xf32, #tpu.memory_space<vmem>>) offsets(%dma_start3A_87 : memref<128xi32, #tpu.memory_space<vmem>>) semaphore(%arg9 : memref<!tpu.dma_semaphore, #tpu.memory_space<semaphore_mem>>)
    %dma_start3A_91 = arith.constant 1 : i32
    %dma_start3A_92 = arith.constant 3 : i32
    %dma_start3A_93 = arith.constant 1 : i32
    %dma_start3A_94 = arith.constant 384 : i32
    %dma_start3A_95 = arith.constant 0 : i32
    %dma_start3A_96 = tpu.memref_slice %arg8[%dma_start3A_93, %dma_start3A_94, %dma_start3A_95] : memref<2x512x16xf32, #tpu.memory_space<vmem>> -> memref<1x128x16xf32, #tpu.memory_space<vmem>>
    %dma_start3A_97 = tpu.memref_squeeze %dma_start3A_96 : memref<1x128x16xf32, #tpu.memory_space<vmem>> -> memref<128x16xf32, #tpu.memory_space<vmem>>
    %dma_start3A_98 = arith.constant 0 : i32
    %dma_start3A_99 = tpu.memref_slice %arg7[%dma_start3A_91, %dma_start3A_92, %dma_start3A_98] : memref<2x4x128xi32, #tpu.memory_space<vmem>> -> memref<1x1x128xi32, #tpu.memory_space<vmem>>
    %dma_start3A_100 = tpu.memref_squeeze %dma_start3A_99 : memref<1x1x128xi32, #tpu.memory_space<vmem>> -> memref<128xi32, #tpu.memory_space<vmem>>
    %dma_start3A_101 = arith.constant 0 : i32
    %dma_start3A_102 = arith.constant 0 : i32
    %dma_start3A_103 = tpu.memref_slice %arg3[%dma_start3A_101, %dma_start3A_102] : memref<100000x16xf32, #tpu.memory_space<hbm>> -> memref<100000x16xf32, #tpu.memory_space<hbm>>
    tpu.enqueue_indirect_dma source(%dma_start3A_103 : memref<100000x16xf32, #tpu.memory_space<hbm>>) target(%dma_start3A_97 : memref<128x16xf32, #tpu.memory_space<vmem>>) offsets(%dma_start3A_100 : memref<128xi32, #tpu.memory_space<vmem>>) semaphore(%arg9 : memref<!tpu.dma_semaphore, #tpu.memory_space<semaphore_mem>>)
    %dma_wait3A = arith.constant 0 : i32
    %dma_wait3A_104 = arith.constant 0 : i32
    %dma_wait3A_105 = arith.constant 0 : i32
    %dma_wait3A_106 = arith.constant 0 : i32
    %dma_wait3A_107 = arith.constant 0 : i32
    %dma_wait3A_108 = tpu.memref_slice %arg8[%dma_wait3A_105, %dma_wait3A_106, %dma_wait3A_107] : memref<2x512x16xf32, #tpu.memory_space<vmem>> -> memref<1x128x16xf32, #tpu.memory_space<vmem>>
    %dma_wait3A_109 = tpu.memref_squeeze %dma_wait3A_108 : memref<1x128x16xf32, #tpu.memory_space<vmem>> -> memref<128x16xf32, #tpu.memory_space<vmem>>
    %dma_wait3A_110 = arith.constant 0 : i32
    %dma_wait3A_111 = tpu.memref_slice %arg7[%dma_wait3A, %dma_wait3A_104, %dma_wait3A_110] : memref<2x4x128xi32, #tpu.memory_space<vmem>> -> memref<1x1x128xi32, #tpu.memory_space<vmem>>
    %dma_wait3A_112 = tpu.memref_squeeze %dma_wait3A_111 : memref<1x1x128xi32, #tpu.memory_space<vmem>> -> memref<128xi32, #tpu.memory_space<vmem>>
    %dma_wait3A_113 = arith.constant 0 : i32
    %dma_wait3A_114 = arith.constant 0 : i32
    %dma_wait3A_115 = tpu.memref_slice %arg2[%dma_wait3A_113, %dma_wait3A_114] : memref<1000000x16xf32, #tpu.memory_space<hbm>> -> memref<1000000x16xf32, #tpu.memory_space<hbm>>
    tpu.wait_indirect_dma semaphore(%arg9 : memref<!tpu.dma_semaphore, #tpu.memory_space<semaphore_mem>>) src(%dma_wait3A_115 : memref<1000000x16xf32, #tpu.memory_space<hbm>>) dst(%dma_wait3A_109 : memref<128x16xf32, #tpu.memory_space<vmem>>)
    %dma_wait3A_116 = arith.constant 0 : i32
    %dma_wait3A_117 = arith.constant 1 : i32
    %dma_wait3A_118 = arith.constant 0 : i32
    %dma_wait3A_119 = arith.constant 128 : i32
    %dma_wait3A_120 = arith.constant 0 : i32
    %dma_wait3A_121 = tpu.memref_slice %arg8[%dma_wait3A_118, %dma_wait3A_119, %dma_wait3A_120] : memref<2x512x16xf32, #tpu.memory_space<vmem>> -> memref<1x128x16xf32, #tpu.memory_space<vmem>>
    %dma_wait3A_122 = tpu.memref_squeeze %dma_wait3A_121 : memref<1x128x16xf32, #tpu.memory_space<vmem>> -> memref<128x16xf32, #tpu.memory_space<vmem>>
    %dma_wait3A_123 = arith.constant 0 : i32
    %dma_wait3A_124 = tpu.memref_slice %arg7[%dma_wait3A_116, %dma_wait3A_117, %dma_wait3A_123] : memref<2x4x128xi32, #tpu.memory_space<vmem>> -> memref<1x1x128xi32, #tpu.memory_space<vmem>>
    %dma_wait3A_125 = tpu.memref_squeeze %dma_wait3A_124 : memref<1x1x128xi32, #tpu.memory_space<vmem>> -> memref<128xi32, #tpu.memory_space<vmem>>
    %dma_wait3A_126 = arith.constant 0 : i32
    %dma_wait3A_127 = arith.constant 0 : i32
    %dma_wait3A_128 = tpu.memref_slice %arg2[%dma_wait3A_126, %dma_wait3A_127] : memref<1000000x16xf32, #tpu.memory_space<hbm>> -> memref<1000000x16xf32, #tpu.memory_space<hbm>>
    tpu.wait_indirect_dma semaphore(%arg9 : memref<!tpu.dma_semaphore, #tpu.memory_space<semaphore_mem>>) src(%dma_wait3A_128 : memref<1000000x16xf32, #tpu.memory_space<hbm>>) dst(%dma_wait3A_122 : memref<128x16xf32, #tpu.memory_space<vmem>>)
    %dma_wait3A_129 = arith.constant 0 : i32
    %dma_wait3A_130 = arith.constant 2 : i32
    %dma_wait3A_131 = arith.constant 0 : i32
    %dma_wait3A_132 = arith.constant 256 : i32
    %dma_wait3A_133 = arith.constant 0 : i32
    %dma_wait3A_134 = tpu.memref_slice %arg8[%dma_wait3A_131, %dma_wait3A_132, %dma_wait3A_133] : memref<2x512x16xf32, #tpu.memory_space<vmem>> -> memref<1x128x16xf32, #tpu.memory_space<vmem>>
    %dma_wait3A_135 = tpu.memref_squeeze %dma_wait3A_134 : memref<1x128x16xf32, #tpu.memory_space<vmem>> -> memref<128x16xf32, #tpu.memory_space<vmem>>
    %dma_wait3A_136 = arith.constant 0 : i32
    %dma_wait3A_137 = tpu.memref_slice %arg7[%dma_wait3A_129, %dma_wait3A_130, %dma_wait3A_136] : memref<2x4x128xi32, #tpu.memory_space<vmem>> -> memref<1x1x128xi32, #tpu.memory_space<vmem>>
    %dma_wait3A_138 = tpu.memref_squeeze %dma_wait3A_137 : memref<1x1x128xi32, #tpu.memory_space<vmem>> -> memref<128xi32, #tpu.memory_space<vmem>>
    %dma_wait3A_139 = arith.constant 0 : i32
    %dma_wait3A_140 = arith.constant 0 : i32
    %dma_wait3A_141 = tpu.memref_slice %arg2[%dma_wait3A_139, %dma_wait3A_140] : memref<1000000x16xf32, #tpu.memory_space<hbm>> -> memref<1000000x16xf32, #tpu.memory_space<hbm>>
    tpu.wait_indirect_dma semaphore(%arg9 : memref<!tpu.dma_semaphore, #tpu.memory_space<semaphore_mem>>) src(%dma_wait3A_141 : memref<1000000x16xf32, #tpu.memory_space<hbm>>) dst(%dma_wait3A_135 : memref<128x16xf32, #tpu.memory_space<vmem>>)
    %dma_wait3A_142 = arith.constant 0 : i32
    %dma_wait3A_143 = arith.constant 3 : i32
    %dma_wait3A_144 = arith.constant 0 : i32
    %dma_wait3A_145 = arith.constant 384 : i32
    %dma_wait3A_146 = arith.constant 0 : i32
    %dma_wait3A_147 = tpu.memref_slice %arg8[%dma_wait3A_144, %dma_wait3A_145, %dma_wait3A_146] : memref<2x512x16xf32, #tpu.memory_space<vmem>> -> memref<1x128x16xf32, #tpu.memory_space<vmem>>
    %dma_wait3A_148 = tpu.memref_squeeze %dma_wait3A_147 : memref<1x128x16xf32, #tpu.memory_space<vmem>> -> memref<128x16xf32, #tpu.memory_space<vmem>>
    %dma_wait3A_149 = arith.constant 0 : i32
    %dma_wait3A_150 = tpu.memref_slice %arg7[%dma_wait3A_142, %dma_wait3A_143, %dma_wait3A_149] : memref<2x4x128xi32, #tpu.memory_space<vmem>> -> memref<1x1x128xi32, #tpu.memory_space<vmem>>
    %dma_wait3A_151 = tpu.memref_squeeze %dma_wait3A_150 : memref<1x1x128xi32, #tpu.memory_space<vmem>> -> memref<128xi32, #tpu.memory_space<vmem>>
    %dma_wait3A_152 = arith.constant 0 : i32
    %dma_wait3A_153 = arith.constant 0 : i32
    %dma_wait3A_154 = tpu.memref_slice %arg2[%dma_wait3A_152, %dma_wait3A_153] : memref<1000000x16xf32, #tpu.memory_space<hbm>> -> memref<1000000x16xf32, #tpu.memory_space<hbm>>
    tpu.wait_indirect_dma semaphore(%arg9 : memref<!tpu.dma_semaphore, #tpu.memory_space<semaphore_mem>>) src(%dma_wait3A_154 : memref<1000000x16xf32, #tpu.memory_space<hbm>>) dst(%dma_wait3A_148 : memref<128x16xf32, #tpu.memory_space<vmem>>)
    %dma_wait3A_155 = arith.constant 1 : i32
    %dma_wait3A_156 = arith.constant 0 : i32
    %dma_wait3A_157 = arith.constant 1 : i32
    %dma_wait3A_158 = arith.constant 0 : i32
    %dma_wait3A_159 = arith.constant 0 : i32
    %dma_wait3A_160 = tpu.memref_slice %arg8[%dma_wait3A_157, %dma_wait3A_158, %dma_wait3A_159] : memref<2x512x16xf32, #tpu.memory_space<vmem>> -> memref<1x128x16xf32, #tpu.memory_space<vmem>>
    %dma_wait3A_161 = tpu.memref_squeeze %dma_wait3A_160 : memref<1x128x16xf32, #tpu.memory_space<vmem>> -> memref<128x16xf32, #tpu.memory_space<vmem>>
    %dma_wait3A_162 = arith.constant 0 : i32
    %dma_wait3A_163 = tpu.memref_slice %arg7[%dma_wait3A_155, %dma_wait3A_156, %dma_wait3A_162] : memref<2x4x128xi32, #tpu.memory_space<vmem>> -> memref<1x1x128xi32, #tpu.memory_space<vmem>>
    %dma_wait3A_164 = tpu.memref_squeeze %dma_wait3A_163 : memref<1x1x128xi32, #tpu.memory_space<vmem>> -> memref<128xi32, #tpu.memory_space<vmem>>
    %dma_wait3A_165 = arith.constant 0 : i32
    %dma_wait3A_166 = arith.constant 0 : i32
    %dma_wait3A_167 = tpu.memref_slice %arg3[%dma_wait3A_165, %dma_wait3A_166] : memref<100000x16xf32, #tpu.memory_space<hbm>> -> memref<100000x16xf32, #tpu.memory_space<hbm>>
    tpu.wait_indirect_dma semaphore(%arg9 : memref<!tpu.dma_semaphore, #tpu.memory_space<semaphore_mem>>) src(%dma_wait3A_167 : memref<100000x16xf32, #tpu.memory_space<hbm>>) dst(%dma_wait3A_161 : memref<128x16xf32, #tpu.memory_space<vmem>>)
    %dma_wait3A_168 = arith.constant 1 : i32
    %dma_wait3A_169 = arith.constant 1 : i32
    %dma_wait3A_170 = arith.constant 1 : i32
    %dma_wait3A_171 = arith.constant 128 : i32
    %dma_wait3A_172 = arith.constant 0 : i32
    %dma_wait3A_173 = tpu.memref_slice %arg8[%dma_wait3A_170, %dma_wait3A_171, %dma_wait3A_172] : memref<2x512x16xf32, #tpu.memory_space<vmem>> -> memref<1x128x16xf32, #tpu.memory_space<vmem>>
    %dma_wait3A_174 = tpu.memref_squeeze %dma_wait3A_173 : memref<1x128x16xf32, #tpu.memory_space<vmem>> -> memref<128x16xf32, #tpu.memory_space<vmem>>
    %dma_wait3A_175 = arith.constant 0 : i32
    %dma_wait3A_176 = tpu.memref_slice %arg7[%dma_wait3A_168, %dma_wait3A_169, %dma_wait3A_175] : memref<2x4x128xi32, #tpu.memory_space<vmem>> -> memref<1x1x128xi32, #tpu.memory_space<vmem>>
    %dma_wait3A_177 = tpu.memref_squeeze %dma_wait3A_176 : memref<1x1x128xi32, #tpu.memory_space<vmem>> -> memref<128xi32, #tpu.memory_space<vmem>>
    %dma_wait3A_178 = arith.constant 0 : i32
    %dma_wait3A_179 = arith.constant 0 : i32
    %dma_wait3A_180 = tpu.memref_slice %arg3[%dma_wait3A_178, %dma_wait3A_179] : memref<100000x16xf32, #tpu.memory_space<hbm>> -> memref<100000x16xf32, #tpu.memory_space<hbm>>
    tpu.wait_indirect_dma semaphore(%arg9 : memref<!tpu.dma_semaphore, #tpu.memory_space<semaphore_mem>>) src(%dma_wait3A_180 : memref<100000x16xf32, #tpu.memory_space<hbm>>) dst(%dma_wait3A_174 : memref<128x16xf32, #tpu.memory_space<vmem>>)
    %dma_wait3A_181 = arith.constant 1 : i32
    %dma_wait3A_182 = arith.constant 2 : i32
    %dma_wait3A_183 = arith.constant 1 : i32
    %dma_wait3A_184 = arith.constant 256 : i32
    %dma_wait3A_185 = arith.constant 0 : i32
    %dma_wait3A_186 = tpu.memref_slice %arg8[%dma_wait3A_183, %dma_wait3A_184, %dma_wait3A_185] : memref<2x512x16xf32, #tpu.memory_space<vmem>> -> memref<1x128x16xf32, #tpu.memory_space<vmem>>
    %dma_wait3A_187 = tpu.memref_squeeze %dma_wait3A_186 : memref<1x128x16xf32, #tpu.memory_space<vmem>> -> memref<128x16xf32, #tpu.memory_space<vmem>>
    %dma_wait3A_188 = arith.constant 0 : i32
    %dma_wait3A_189 = tpu.memref_slice %arg7[%dma_wait3A_181, %dma_wait3A_182, %dma_wait3A_188] : memref<2x4x128xi32, #tpu.memory_space<vmem>> -> memref<1x1x128xi32, #tpu.memory_space<vmem>>
    %dma_wait3A_190 = tpu.memref_squeeze %dma_wait3A_189 : memref<1x1x128xi32, #tpu.memory_space<vmem>> -> memref<128xi32, #tpu.memory_space<vmem>>
    %dma_wait3A_191 = arith.constant 0 : i32
    %dma_wait3A_192 = arith.constant 0 : i32
    %dma_wait3A_193 = tpu.memref_slice %arg3[%dma_wait3A_191, %dma_wait3A_192] : memref<100000x16xf32, #tpu.memory_space<hbm>> -> memref<100000x16xf32, #tpu.memory_space<hbm>>
    tpu.wait_indirect_dma semaphore(%arg9 : memref<!tpu.dma_semaphore, #tpu.memory_space<semaphore_mem>>) src(%dma_wait3A_193 : memref<100000x16xf32, #tpu.memory_space<hbm>>) dst(%dma_wait3A_187 : memref<128x16xf32, #tpu.memory_space<vmem>>)
    %dma_wait3A_194 = arith.constant 1 : i32
    %dma_wait3A_195 = arith.constant 3 : i32
    %dma_wait3A_196 = arith.constant 1 : i32
    %dma_wait3A_197 = arith.constant 384 : i32
    %dma_wait3A_198 = arith.constant 0 : i32
    %dma_wait3A_199 = tpu.memref_slice %arg8[%dma_wait3A_196, %dma_wait3A_197, %dma_wait3A_198] : memref<2x512x16xf32, #tpu.memory_space<vmem>> -> memref<1x128x16xf32, #tpu.memory_space<vmem>>
    %dma_wait3A_200 = tpu.memref_squeeze %dma_wait3A_199 : memref<1x128x16xf32, #tpu.memory_space<vmem>> -> memref<128x16xf32, #tpu.memory_space<vmem>>
    %dma_wait3A_201 = arith.constant 0 : i32
    %dma_wait3A_202 = tpu.memref_slice %arg7[%dma_wait3A_194, %dma_wait3A_195, %dma_wait3A_201] : memref<2x4x128xi32, #tpu.memory_space<vmem>> -> memref<1x1x128xi32, #tpu.memory_space<vmem>>
    %dma_wait3A_203 = tpu.memref_squeeze %dma_wait3A_202 : memref<1x1x128xi32, #tpu.memory_space<vmem>> -> memref<128xi32, #tpu.memory_space<vmem>>
    %dma_wait3A_204 = arith.constant 0 : i32
    %dma_wait3A_205 = arith.constant 0 : i32
    %dma_wait3A_206 = tpu.memref_slice %arg3[%dma_wait3A_204, %dma_wait3A_205] : memref<100000x16xf32, #tpu.memory_space<hbm>> -> memref<100000x16xf32, #tpu.memory_space<hbm>>
    tpu.wait_indirect_dma semaphore(%arg9 : memref<!tpu.dma_semaphore, #tpu.memory_space<semaphore_mem>>) src(%dma_wait3A_206 : memref<100000x16xf32, #tpu.memory_space<hbm>>) dst(%dma_wait3A_200 : memref<128x16xf32, #tpu.memory_space<vmem>>)
    %mul3A_207 = arith.constant 512 : i32
    %mul3A_208 = arith.muli %add3A, %mul3A_207 : i32
    %run_scoped3A = arith.constant 0 : i32
    "tpu.region"() ({
      %run_scoped3A_210 = tpu.sem_alloc : memref<!tpu.dma_semaphore, #tpu.memory_space<semaphore_mem>>
      %dma_start3A_211 = arith.constant 0 : i32
      %dma_start3A_212 = arith.constant 0 : i32
      %dma_start3A_213 = tpu.memref_slice %arg8[%run_scoped3A, %dma_start3A_211, %dma_start3A_212] : memref<2x512x16xf32, #tpu.memory_space<vmem>> -> memref<1x512x16xf32, #tpu.memory_space<vmem>>
      %dma_start3A_214 = tpu.memref_squeeze %dma_start3A_213 : memref<1x512x16xf32, #tpu.memory_space<vmem>> -> memref<512x16xf32, #tpu.memory_space<vmem>>
      %dma_start3A_215 = arith.constant 0 : i32
      %dma_start3A_216 = tpu.memref_slice %arg5[%mul3A_208, %dma_start3A_215] : memref<16384x16xf32, #tpu.memory_space<hbm>> -> memref<512x16xf32, #tpu.memory_space<hbm>>
      %dma_start3A_217 = arith.constant 0 : i32
      %dma_start3A_218 = tpu.memref_slice %arg5[%mul3A_208, %dma_start3A_217] : memref<16384x16xf32, #tpu.memory_space<hbm>> -> memref<512x16xf32, #tpu.memory_space<hbm>>
      %dma_start3A_219 = arith.constant 0 : i32
      %dma_start3A_220 = arith.constant 0 : i32
      %dma_start3A_221 = tpu.memref_slice %arg8[%run_scoped3A, %dma_start3A_219, %dma_start3A_220] : memref<2x512x16xf32, #tpu.memory_space<vmem>> -> memref<1x512x16xf32, #tpu.memory_space<vmem>>
      %dma_start3A_222 = tpu.memref_squeeze %dma_start3A_221 : memref<1x512x16xf32, #tpu.memory_space<vmem>> -> memref<512x16xf32, #tpu.memory_space<vmem>>
      tpu.enqueue_dma source(%dma_start3A_222 : memref<512x16xf32, #tpu.memory_space<vmem>>) target(%dma_start3A_218 : memref<512x16xf32, #tpu.memory_space<hbm>>) target_semaphore(%run_scoped3A_210 : memref<!tpu.dma_semaphore, #tpu.memory_space<semaphore_mem>>)
      %dma_wait3A_223 = arith.constant 0 : i32
      %dma_wait3A_224 = arith.constant 0 : i32
      %dma_wait3A_225 = tpu.memref_slice %arg8[%run_scoped3A, %dma_wait3A_223, %dma_wait3A_224] : memref<2x512x16xf32, #tpu.memory_space<vmem>> -> memref<1x512x16xf32, #tpu.memory_space<vmem>>
      %dma_wait3A_226 = tpu.memref_squeeze %dma_wait3A_225 : memref<1x512x16xf32, #tpu.memory_space<vmem>> -> memref<512x16xf32, #tpu.memory_space<vmem>>
      %dma_wait3A_227 = arith.constant 0 : i32
      %dma_wait3A_228 = tpu.memref_slice %arg5[%mul3A_208, %dma_wait3A_227] : memref<16384x16xf32, #tpu.memory_space<hbm>> -> memref<512x16xf32, #tpu.memory_space<hbm>>
      %dma_wait3A_229 = arith.constant 0 : i32
      %dma_wait3A_230 = tpu.memref_slice %arg5[%mul3A_208, %dma_wait3A_229] : memref<16384x16xf32, #tpu.memory_space<hbm>> -> memref<512x16xf32, #tpu.memory_space<hbm>>
      %dma_wait3A_231 = arith.constant 0 : i32
      %dma_wait3A_232 = arith.constant 0 : i32
      %dma_wait3A_233 = tpu.memref_slice %arg8[%run_scoped3A, %dma_wait3A_231, %dma_wait3A_232] : memref<2x512x16xf32, #tpu.memory_space<vmem>> -> memref<1x512x16xf32, #tpu.memory_space<vmem>>
      %dma_wait3A_234 = tpu.memref_squeeze %dma_wait3A_233 : memref<1x512x16xf32, #tpu.memory_space<vmem>> -> memref<512x16xf32, #tpu.memory_space<vmem>>
      tpu.wait_dma2 semaphore(%run_scoped3A_210 : memref<!tpu.dma_semaphore, #tpu.memory_space<semaphore_mem>>) src(%dma_wait3A_234 : memref<512x16xf32, #tpu.memory_space<vmem>>) dst(%dma_wait3A_230 : memref<512x16xf32, #tpu.memory_space<hbm>>)
      tpu.yield
    }) : () -> ()
    %run_scoped3A_209 = arith.constant 1 : i32
    "tpu.region"() ({
      %run_scoped3A_210 = tpu.sem_alloc : memref<!tpu.dma_semaphore, #tpu.memory_space<semaphore_mem>>
      %dma_start3A_211 = arith.constant 0 : i32
      %dma_start3A_212 = arith.constant 0 : i32
      %dma_start3A_213 = tpu.memref_slice %arg8[%run_scoped3A_209, %dma_start3A_211, %dma_start3A_212] : memref<2x512x16xf32, #tpu.memory_space<vmem>> -> memref<1x512x16xf32, #tpu.memory_space<vmem>>
      %dma_start3A_214 = tpu.memref_squeeze %dma_start3A_213 : memref<1x512x16xf32, #tpu.memory_space<vmem>> -> memref<512x16xf32, #tpu.memory_space<vmem>>
      %dma_start3A_215 = arith.constant 0 : i32
      %dma_start3A_216 = tpu.memref_slice %arg6[%mul3A_208, %dma_start3A_215] : memref<16384x16xf32, #tpu.memory_space<hbm>> -> memref<512x16xf32, #tpu.memory_space<hbm>>
      %dma_start3A_217 = arith.constant 0 : i32
      %dma_start3A_218 = tpu.memref_slice %arg6[%mul3A_208, %dma_start3A_217] : memref<16384x16xf32, #tpu.memory_space<hbm>> -> memref<512x16xf32, #tpu.memory_space<hbm>>
      %dma_start3A_219 = arith.constant 0 : i32
      %dma_start3A_220 = arith.constant 0 : i32
      %dma_start3A_221 = tpu.memref_slice %arg8[%run_scoped3A_209, %dma_start3A_219, %dma_start3A_220] : memref<2x512x16xf32, #tpu.memory_space<vmem>> -> memref<1x512x16xf32, #tpu.memory_space<vmem>>
      %dma_start3A_222 = tpu.memref_squeeze %dma_start3A_221 : memref<1x512x16xf32, #tpu.memory_space<vmem>> -> memref<512x16xf32, #tpu.memory_space<vmem>>
      tpu.enqueue_dma source(%dma_start3A_222 : memref<512x16xf32, #tpu.memory_space<vmem>>) target(%dma_start3A_218 : memref<512x16xf32, #tpu.memory_space<hbm>>) target_semaphore(%run_scoped3A_210 : memref<!tpu.dma_semaphore, #tpu.memory_space<semaphore_mem>>)
      %dma_wait3A_223 = arith.constant 0 : i32
      %dma_wait3A_224 = arith.constant 0 : i32
      %dma_wait3A_225 = tpu.memref_slice %arg8[%run_scoped3A_209, %dma_wait3A_223, %dma_wait3A_224] : memref<2x512x16xf32, #tpu.memory_space<vmem>> -> memref<1x512x16xf32, #tpu.memory_space<vmem>>
      %dma_wait3A_226 = tpu.memref_squeeze %dma_wait3A_225 : memref<1x512x16xf32, #tpu.memory_space<vmem>> -> memref<512x16xf32, #tpu.memory_space<vmem>>
      %dma_wait3A_227 = arith.constant 0 : i32
      %dma_wait3A_228 = tpu.memref_slice %arg6[%mul3A_208, %dma_wait3A_227] : memref<16384x16xf32, #tpu.memory_space<hbm>> -> memref<512x16xf32, #tpu.memory_space<hbm>>
      %dma_wait3A_229 = arith.constant 0 : i32
      %dma_wait3A_230 = tpu.memref_slice %arg6[%mul3A_208, %dma_wait3A_229] : memref<16384x16xf32, #tpu.memory_space<hbm>> -> memref<512x16xf32, #tpu.memory_space<hbm>>
      %dma_wait3A_231 = arith.constant 0 : i32
      %dma_wait3A_232 = arith.constant 0 : i32
      %dma_wait3A_233 = tpu.memref_slice %arg8[%run_scoped3A_209, %dma_wait3A_231, %dma_wait3A_232] : memref<2x512x16xf32, #tpu.memory_space<vmem>> -> memref<1x512x16xf32, #tpu.memory_space<vmem>>
      %dma_wait3A_234 = tpu.memref_squeeze %dma_wait3A_233 : memref<1x512x16xf32, #tpu.memory_space<vmem>> -> memref<512x16xf32, #tpu.memory_space<vmem>>
      tpu.wait_dma2 semaphore(%run_scoped3A_210 : memref<!tpu.dma_semaphore, #tpu.memory_space<semaphore_mem>>) src(%dma_wait3A_234 : memref<512x16xf32, #tpu.memory_space<vmem>>) dst(%dma_wait3A_230 : memref<512x16xf32, #tpu.memory_space<hbm>>)
      tpu.yield
    }) : () -> ()
    return
  }
}

module attributes {stable_mosaic.version = 14 : i64} {
  func.func @_tc_forward_body(%arg0: i32, %arg1: memref<512x16xf32, #tpu.memory_space<vmem>>, %arg2: memref<512x16xf32, #tpu.memory_space<vmem>>, %arg3: memref<512x16xi32, #tpu.memory_space<vmem>>, %arg4: memref<512x1xf32, #tpu.memory_space<vmem>>, %arg5: memref<224x208xf32, #tpu.memory_space<vmem>>, %arg6: memref<240x240xf32, #tpu.memory_space<vmem>>, %arg7: memref<240xf32, #tpu.memory_space<vmem>>, %arg8: memref<240x240xf32, #tpu.memory_space<vmem>>, %arg9: memref<240xf32, #tpu.memory_space<vmem>>, %arg10: memref<240x240xf32, #tpu.memory_space<vmem>>, %arg11: memref<240xf32, #tpu.memory_space<vmem>>, %arg12: memref<240x128xf32, #tpu.memory_space<vmem>>, %arg13: memref<128xf32, #tpu.memory_space<vmem>>, %arg14: memref<128x64xf32, #tpu.memory_space<vmem>>, %arg15: memref<64xf32, #tpu.memory_space<vmem>>, %arg16: memref<64x32xf32, #tpu.memory_space<vmem>>, %arg17: memref<32xf32, #tpu.memory_space<vmem>>, %arg18: memref<1x32xf32, #tpu.memory_space<vmem>>, %arg19: memref<1xf32, #tpu.memory_space<vmem>>, %arg20: memref<512x1xf32, #tpu.memory_space<vmem>>, %arg21: memref<512x128xf32, #tpu.memory_space<vmem>>, %arg22: memref<1x128xf32, #tpu.memory_space<vmem>>) attributes {dimension_semantics = [#tpu.dimension_semantics<arbitrary>], iteration_bounds = array<i64: 32>, scalar_prefetch = 0 : i64, scratch_operands = 0 : i64, tpu.core_type = #tpu.core_type<tc>, window_params = [{transform_indices = @transform_0, window_bounds = array<i64: 512, 16>}, {transform_indices = @transform_1, window_bounds = array<i64: 512, 16>}, {transform_indices = @transform_2, window_bounds = array<i64: 512, 16>}, {transform_indices = @transform_3, window_bounds = array<i64: 512, 1>}, {pipeline_mode = #tpu.pipeline_mode<synchronous>, transform_indices = @transform_4, window_bounds = array<i64: 224, 208>}, {pipeline_mode = #tpu.pipeline_mode<synchronous>, transform_indices = @transform_5, window_bounds = array<i64: 240, 240>}, {pipeline_mode = #tpu.pipeline_mode<synchronous>, transform_indices = @transform_6, window_bounds = array<i64: 240>}, {pipeline_mode = #tpu.pipeline_mode<synchronous>, transform_indices = @transform_7, window_bounds = array<i64: 240, 240>}, {pipeline_mode = #tpu.pipeline_mode<synchronous>, transform_indices = @transform_8, window_bounds = array<i64: 240>}, {pipeline_mode = #tpu.pipeline_mode<synchronous>, transform_indices = @transform_9, window_bounds = array<i64: 240, 240>}, {pipeline_mode = #tpu.pipeline_mode<synchronous>, transform_indices = @transform_10, window_bounds = array<i64: 240>}, {pipeline_mode = #tpu.pipeline_mode<synchronous>, transform_indices = @transform_11, window_bounds = array<i64: 240, 128>}, {pipeline_mode = #tpu.pipeline_mode<synchronous>, transform_indices = @transform_12, window_bounds = array<i64: 128>}, {pipeline_mode = #tpu.pipeline_mode<synchronous>, transform_indices = @transform_13, window_bounds = array<i64: 128, 64>}, {pipeline_mode = #tpu.pipeline_mode<synchronous>, transform_indices = @transform_14, window_bounds = array<i64: 64>}, {pipeline_mode = #tpu.pipeline_mode<synchronous>, transform_indices = @transform_15, window_bounds = array<i64: 64, 32>}, {pipeline_mode = #tpu.pipeline_mode<synchronous>, transform_indices = @transform_16, window_bounds = array<i64: 32>}, {pipeline_mode = #tpu.pipeline_mode<synchronous>, transform_indices = @transform_17, window_bounds = array<i64: 1, 32>}, {pipeline_mode = #tpu.pipeline_mode<synchronous>, transform_indices = @transform_18, window_bounds = array<i64: 1>}, {transform_indices = @transform_19, window_bounds = array<i64: 512, 1>}, {transform_indices = @transform_20, window_bounds = array<i64: 512, 128>}, {pipeline_mode = #tpu.pipeline_mode<synchronous>, transform_indices = @transform_21, window_bounds = array<i64: 1, 128>}]} {
    %iota3A = tpu.iota {dimensions = array<i32: 1>} : vector<512x224xi32>
    %broadcast_in_dim3A = arith.constant 0.000000e+00 : f32
    %broadcast_in_dim3A_0 = vector.broadcast %broadcast_in_dim3A : f32 to vector<512x224xf32>
    %get3A = arith.constant 0 : index
    %get3A_1 = arith.constant 0 : index
    %get3A_2 = vector.load %arg3[%get3A, %get3A_1] : memref<512x16xi32, #tpu.memory_space<vmem>>, vector<512x1xi32>
    %add3A = arith.constant 0 : i32
    %add3A_3 = vector.broadcast %add3A : i32 to vector<512x1xi32>
    %add3A_4 = arith.addi %get3A_2, %add3A_3 : vector<512x1xi32>
    %eq3A = vector.broadcast %add3A_4 : vector<512x1xi32> to vector<512x224xi32>
    %eq3A_5 = arith.cmpi eq, %iota3A, %eq3A : vector<512x224xi32>
    %jit3A = arith.constant 1.000000e+00 : f32
    %jit3A_6 = arith.constant 0.000000e+00 : f32
    %broadcast_in_dim3A_7 = vector.broadcast %jit3A : f32 to vector<512x224xf32>
    %broadcast_in_dim3A_8 = vector.broadcast %jit3A_6 : f32 to vector<512x224xf32>
    %select_n3A = arith.select %eq3A_5, %broadcast_in_dim3A_7, %broadcast_in_dim3A_8 : vector<512x224xi1>, vector<512x224xf32>
    %add3A_9 = arith.addf %broadcast_in_dim3A_0, %select_n3A : vector<512x224xf32>
    %get3A_10 = arith.constant 0 : index
    %get3A_11 = arith.constant 1 : index
    %get3A_12 = vector.load %arg3[%get3A_10, %get3A_11] : memref<512x16xi32, #tpu.memory_space<vmem>>, vector<512x1xi32>
    %add3A_13 = arith.constant 8 : i32
    %add3A_14 = vector.broadcast %add3A_13 : i32 to vector<512x1xi32>
    %add3A_15 = arith.addi %get3A_12, %add3A_14 : vector<512x1xi32>
    %eq3A_16 = vector.broadcast %add3A_15 : vector<512x1xi32> to vector<512x224xi32>
    %eq3A_17 = arith.cmpi eq, %iota3A, %eq3A_16 : vector<512x224xi32>
    %jit3A_18 = arith.constant 1.000000e+00 : f32
    %jit3A_19 = arith.constant 0.000000e+00 : f32
    %broadcast_in_dim3A_20 = vector.broadcast %jit3A_18 : f32 to vector<512x224xf32>
    %broadcast_in_dim3A_21 = vector.broadcast %jit3A_19 : f32 to vector<512x224xf32>
    %select_n3A_22 = arith.select %eq3A_17, %broadcast_in_dim3A_20, %broadcast_in_dim3A_21 : vector<512x224xi1>, vector<512x224xf32>
    %add3A_23 = arith.addf %add3A_9, %select_n3A_22 : vector<512x224xf32>
    %get3A_24 = arith.constant 0 : index
    %get3A_25 = arith.constant 2 : index
    %get3A_26 = vector.load %arg3[%get3A_24, %get3A_25] : memref<512x16xi32, #tpu.memory_space<vmem>>, vector<512x1xi32>
    %add3A_27 = arith.constant 11 : i32
    %add3A_28 = vector.broadcast %add3A_27 : i32 to vector<512x1xi32>
    %add3A_29 = arith.addi %get3A_26, %add3A_28 : vector<512x1xi32>
    %eq3A_30 = vector.broadcast %add3A_29 : vector<512x1xi32> to vector<512x224xi32>
    %eq3A_31 = arith.cmpi eq, %iota3A, %eq3A_30 : vector<512x224xi32>
    %jit3A_32 = arith.constant 1.000000e+00 : f32
    %jit3A_33 = arith.constant 0.000000e+00 : f32
    %broadcast_in_dim3A_34 = vector.broadcast %jit3A_32 : f32 to vector<512x224xf32>
    %broadcast_in_dim3A_35 = vector.broadcast %jit3A_33 : f32 to vector<512x224xf32>
    %select_n3A_36 = arith.select %eq3A_31, %broadcast_in_dim3A_34, %broadcast_in_dim3A_35 : vector<512x224xi1>, vector<512x224xf32>
    %add3A_37 = arith.addf %add3A_23, %select_n3A_36 : vector<512x224xf32>
    %get3A_38 = arith.constant 0 : index
    %get3A_39 = arith.constant 3 : index
    %get3A_40 = vector.load %arg3[%get3A_38, %get3A_39] : memref<512x16xi32, #tpu.memory_space<vmem>>, vector<512x1xi32>
    %add3A_41 = arith.constant 32 : i32
    %add3A_42 = vector.broadcast %add3A_41 : i32 to vector<512x1xi32>
    %add3A_43 = arith.addi %get3A_40, %add3A_42 : vector<512x1xi32>
    %eq3A_44 = vector.broadcast %add3A_43 : vector<512x1xi32> to vector<512x224xi32>
    %eq3A_45 = arith.cmpi eq, %iota3A, %eq3A_44 : vector<512x224xi32>
    %jit3A_46 = arith.constant 1.000000e+00 : f32
    %jit3A_47 = arith.constant 0.000000e+00 : f32
    %broadcast_in_dim3A_48 = vector.broadcast %jit3A_46 : f32 to vector<512x224xf32>
    %broadcast_in_dim3A_49 = vector.broadcast %jit3A_47 : f32 to vector<512x224xf32>
    %select_n3A_50 = arith.select %eq3A_45, %broadcast_in_dim3A_48, %broadcast_in_dim3A_49 : vector<512x224xi1>, vector<512x224xf32>
    %add3A_51 = arith.addf %add3A_37, %select_n3A_50 : vector<512x224xf32>
    %get3A_52 = arith.constant 0 : index
    %get3A_53 = arith.constant 4 : index
    %get3A_54 = vector.load %arg3[%get3A_52, %get3A_53] : memref<512x16xi32, #tpu.memory_space<vmem>>, vector<512x1xi32>
    %add3A_55 = arith.constant 51 : i32
    %add3A_56 = vector.broadcast %add3A_55 : i32 to vector<512x1xi32>
    %add3A_57 = arith.addi %get3A_54, %add3A_56 : vector<512x1xi32>
    %eq3A_58 = vector.broadcast %add3A_57 : vector<512x1xi32> to vector<512x224xi32>
    %eq3A_59 = arith.cmpi eq, %iota3A, %eq3A_58 : vector<512x224xi32>
    %jit3A_60 = arith.constant 1.000000e+00 : f32
    %jit3A_61 = arith.constant 0.000000e+00 : f32
    %broadcast_in_dim3A_62 = vector.broadcast %jit3A_60 : f32 to vector<512x224xf32>
    %broadcast_in_dim3A_63 = vector.broadcast %jit3A_61 : f32 to vector<512x224xf32>
    %select_n3A_64 = arith.select %eq3A_59, %broadcast_in_dim3A_62, %broadcast_in_dim3A_63 : vector<512x224xi1>, vector<512x224xf32>
    %add3A_65 = arith.addf %add3A_51, %select_n3A_64 : vector<512x224xf32>
    %get3A_66 = arith.constant 0 : index
    %get3A_67 = arith.constant 5 : index
    %get3A_68 = vector.load %arg3[%get3A_66, %get3A_67] : memref<512x16xi32, #tpu.memory_space<vmem>>, vector<512x1xi32>
    %add3A_69 = arith.constant 70 : i32
    %add3A_70 = vector.broadcast %add3A_69 : i32 to vector<512x1xi32>
    %add3A_71 = arith.addi %get3A_68, %add3A_70 : vector<512x1xi32>
    %eq3A_72 = vector.broadcast %add3A_71 : vector<512x1xi32> to vector<512x224xi32>
    %eq3A_73 = arith.cmpi eq, %iota3A, %eq3A_72 : vector<512x224xi32>
    %jit3A_74 = arith.constant 1.000000e+00 : f32
    %jit3A_75 = arith.constant 0.000000e+00 : f32
    %broadcast_in_dim3A_76 = vector.broadcast %jit3A_74 : f32 to vector<512x224xf32>
    %broadcast_in_dim3A_77 = vector.broadcast %jit3A_75 : f32 to vector<512x224xf32>
    %select_n3A_78 = arith.select %eq3A_73, %broadcast_in_dim3A_76, %broadcast_in_dim3A_77 : vector<512x224xi1>, vector<512x224xf32>
    %add3A_79 = arith.addf %add3A_65, %select_n3A_78 : vector<512x224xf32>
    %get3A_80 = arith.constant 0 : index
    %get3A_81 = arith.constant 6 : index
    %get3A_82 = vector.load %arg3[%get3A_80, %get3A_81] : memref<512x16xi32, #tpu.memory_space<vmem>>, vector<512x1xi32>
    %add3A_83 = arith.constant 89 : i32
    %add3A_84 = vector.broadcast %add3A_83 : i32 to vector<512x1xi32>
    %add3A_85 = arith.addi %get3A_82, %add3A_84 : vector<512x1xi32>
    %eq3A_86 = vector.broadcast %add3A_85 : vector<512x1xi32> to vector<512x224xi32>
    %eq3A_87 = arith.cmpi eq, %iota3A, %eq3A_86 : vector<512x224xi32>
    %jit3A_88 = arith.constant 1.000000e+00 : f32
    %jit3A_89 = arith.constant 0.000000e+00 : f32
    %broadcast_in_dim3A_90 = vector.broadcast %jit3A_88 : f32 to vector<512x224xf32>
    %broadcast_in_dim3A_91 = vector.broadcast %jit3A_89 : f32 to vector<512x224xf32>
    %select_n3A_92 = arith.select %eq3A_87, %broadcast_in_dim3A_90, %broadcast_in_dim3A_91 : vector<512x224xi1>, vector<512x224xf32>
    %add3A_93 = arith.addf %add3A_79, %select_n3A_92 : vector<512x224xf32>
    %get3A_94 = arith.constant 0 : index
    %get3A_95 = arith.constant 7 : index
    %get3A_96 = vector.load %arg3[%get3A_94, %get3A_95] : memref<512x16xi32, #tpu.memory_space<vmem>>, vector<512x1xi32>
    %add3A_97 = arith.constant 108 : i32
    %add3A_98 = vector.broadcast %add3A_97 : i32 to vector<512x1xi32>
    %add3A_99 = arith.addi %get3A_96, %add3A_98 : vector<512x1xi32>
    %eq3A_100 = vector.broadcast %add3A_99 : vector<512x1xi32> to vector<512x224xi32>
    %eq3A_101 = arith.cmpi eq, %iota3A, %eq3A_100 : vector<512x224xi32>
    %jit3A_102 = arith.constant 1.000000e+00 : f32
    %jit3A_103 = arith.constant 0.000000e+00 : f32
    %broadcast_in_dim3A_104 = vector.broadcast %jit3A_102 : f32 to vector<512x224xf32>
    %broadcast_in_dim3A_105 = vector.broadcast %jit3A_103 : f32 to vector<512x224xf32>
    %select_n3A_106 = arith.select %eq3A_101, %broadcast_in_dim3A_104, %broadcast_in_dim3A_105 : vector<512x224xi1>, vector<512x224xf32>
    %add3A_107 = arith.addf %add3A_93, %select_n3A_106 : vector<512x224xf32>
    %get3A_108 = arith.constant 0 : index
    %get3A_109 = arith.constant 8 : index
    %get3A_110 = vector.load %arg3[%get3A_108, %get3A_109] : memref<512x16xi32, #tpu.memory_space<vmem>>, vector<512x1xi32>
    %add3A_111 = arith.constant 127 : i32
    %add3A_112 = vector.broadcast %add3A_111 : i32 to vector<512x1xi32>
    %add3A_113 = arith.addi %get3A_110, %add3A_112 : vector<512x1xi32>
    %eq3A_114 = vector.broadcast %add3A_113 : vector<512x1xi32> to vector<512x224xi32>
    %eq3A_115 = arith.cmpi eq, %iota3A, %eq3A_114 : vector<512x224xi32>
    %jit3A_116 = arith.constant 1.000000e+00 : f32
    %jit3A_117 = arith.constant 0.000000e+00 : f32
    %broadcast_in_dim3A_118 = vector.broadcast %jit3A_116 : f32 to vector<512x224xf32>
    %broadcast_in_dim3A_119 = vector.broadcast %jit3A_117 : f32 to vector<512x224xf32>
    %select_n3A_120 = arith.select %eq3A_115, %broadcast_in_dim3A_118, %broadcast_in_dim3A_119 : vector<512x224xi1>, vector<512x224xf32>
    %add3A_121 = arith.addf %add3A_107, %select_n3A_120 : vector<512x224xf32>
    %get3A_122 = arith.constant 0 : index
    %get3A_123 = arith.constant 9 : index
    %get3A_124 = vector.load %arg3[%get3A_122, %get3A_123] : memref<512x16xi32, #tpu.memory_space<vmem>>, vector<512x1xi32>
    %add3A_125 = arith.constant 146 : i32
    %add3A_126 = vector.broadcast %add3A_125 : i32 to vector<512x1xi32>
    %add3A_127 = arith.addi %get3A_124, %add3A_126 : vector<512x1xi32>
    %eq3A_128 = vector.broadcast %add3A_127 : vector<512x1xi32> to vector<512x224xi32>
    %eq3A_129 = arith.cmpi eq, %iota3A, %eq3A_128 : vector<512x224xi32>
    %jit3A_130 = arith.constant 1.000000e+00 : f32
    %jit3A_131 = arith.constant 0.000000e+00 : f32
    %broadcast_in_dim3A_132 = vector.broadcast %jit3A_130 : f32 to vector<512x224xf32>
    %broadcast_in_dim3A_133 = vector.broadcast %jit3A_131 : f32 to vector<512x224xf32>
    %select_n3A_134 = arith.select %eq3A_129, %broadcast_in_dim3A_132, %broadcast_in_dim3A_133 : vector<512x224xi1>, vector<512x224xf32>
    %add3A_135 = arith.addf %add3A_121, %select_n3A_134 : vector<512x224xf32>
    %get3A_136 = arith.constant 0 : index
    %get3A_137 = arith.constant 10 : index
    %get3A_138 = vector.load %arg3[%get3A_136, %get3A_137] : memref<512x16xi32, #tpu.memory_space<vmem>>, vector<512x1xi32>
    %add3A_139 = arith.constant 165 : i32
    %add3A_140 = vector.broadcast %add3A_139 : i32 to vector<512x1xi32>
    %add3A_141 = arith.addi %get3A_138, %add3A_140 : vector<512x1xi32>
    %eq3A_142 = vector.broadcast %add3A_141 : vector<512x1xi32> to vector<512x224xi32>
    %eq3A_143 = arith.cmpi eq, %iota3A, %eq3A_142 : vector<512x224xi32>
    %jit3A_144 = arith.constant 1.000000e+00 : f32
    %jit3A_145 = arith.constant 0.000000e+00 : f32
    %broadcast_in_dim3A_146 = vector.broadcast %jit3A_144 : f32 to vector<512x224xf32>
    %broadcast_in_dim3A_147 = vector.broadcast %jit3A_145 : f32 to vector<512x224xf32>
    %select_n3A_148 = arith.select %eq3A_143, %broadcast_in_dim3A_146, %broadcast_in_dim3A_147 : vector<512x224xi1>, vector<512x224xf32>
    %add3A_149 = arith.addf %add3A_135, %select_n3A_148 : vector<512x224xf32>
    %get3A_150 = arith.constant 0 : index
    %get3A_151 = arith.constant 11 : index
    %get3A_152 = vector.load %arg3[%get3A_150, %get3A_151] : memref<512x16xi32, #tpu.memory_space<vmem>>, vector<512x1xi32>
    %add3A_153 = arith.constant 184 : i32
    %add3A_154 = vector.broadcast %add3A_153 : i32 to vector<512x1xi32>
    %add3A_155 = arith.addi %get3A_152, %add3A_154 : vector<512x1xi32>
    %eq3A_156 = vector.broadcast %add3A_155 : vector<512x1xi32> to vector<512x224xi32>
    %eq3A_157 = arith.cmpi eq, %iota3A, %eq3A_156 : vector<512x224xi32>
    %jit3A_158 = arith.constant 1.000000e+00 : f32
    %jit3A_159 = arith.constant 0.000000e+00 : f32
    %broadcast_in_dim3A_160 = vector.broadcast %jit3A_158 : f32 to vector<512x224xf32>
    %broadcast_in_dim3A_161 = vector.broadcast %jit3A_159 : f32 to vector<512x224xf32>
    %select_n3A_162 = arith.select %eq3A_157, %broadcast_in_dim3A_160, %broadcast_in_dim3A_161 : vector<512x224xi1>, vector<512x224xf32>
    %add3A_163 = arith.addf %add3A_149, %select_n3A_162 : vector<512x224xf32>
    %get3A_164 = arith.constant 0 : index
    %get3A_165 = arith.constant 12 : index
    %get3A_166 = vector.load %arg3[%get3A_164, %get3A_165] : memref<512x16xi32, #tpu.memory_space<vmem>>, vector<512x1xi32>
    %add3A_167 = arith.constant 203 : i32
    %add3A_168 = vector.broadcast %add3A_167 : i32 to vector<512x1xi32>
    %add3A_169 = arith.addi %get3A_166, %add3A_168 : vector<512x1xi32>
    %eq3A_170 = vector.broadcast %add3A_169 : vector<512x1xi32> to vector<512x224xi32>
    %eq3A_171 = arith.cmpi eq, %iota3A, %eq3A_170 : vector<512x224xi32>
    %jit3A_172 = arith.constant 1.000000e+00 : f32
    %jit3A_173 = arith.constant 0.000000e+00 : f32
    %broadcast_in_dim3A_174 = vector.broadcast %jit3A_172 : f32 to vector<512x224xf32>
    %broadcast_in_dim3A_175 = vector.broadcast %jit3A_173 : f32 to vector<512x224xf32>
    %select_n3A_176 = arith.select %eq3A_171, %broadcast_in_dim3A_174, %broadcast_in_dim3A_175 : vector<512x224xi1>, vector<512x224xf32>
    %add3A_177 = arith.addf %add3A_163, %select_n3A_176 : vector<512x224xf32>
    %get3A_178 = arith.constant 0 : index
    %get3A_179 = arith.constant 0 : index
    %get3A_180 = vector.load %arg5[%get3A_178, %get3A_179] : memref<224x208xf32, #tpu.memory_space<vmem>>, vector<224x208xf32>
    %dot_general3A = arith.constant dense<0.000000e+00> : vector<512x208xf32>
    %dot_general3A_181 = tpu.matmul %add3A_177, %get3A_180, %dot_general3A {dimension_numbers = #tpu.dot_dimension_numbers<[1], [0], [0], [1], [0, 0, 1, 1], [], []>, transpose_lhs_hint = false} : vector<512x224xf32>, vector<224x208xf32>, vector<512x208xf32> -> vector<512x208xf32>
    %get3A_182 = arith.constant 0 : index
    %get3A_183 = arith.constant 0 : index
    %get3A_184 = vector.load %arg1[%get3A_182, %get3A_183] : memref<512x16xf32, #tpu.memory_space<vmem>>, vector<512x16xf32>
    %get3A_185 = arith.constant 0 : index
    %get3A_186 = arith.constant 0 : index
    %get3A_187 = vector.load %arg2[%get3A_185, %get3A_186] : memref<512x16xf32, #tpu.memory_space<vmem>>, vector<512x16xf32>
    %concatenate3A = tpu.concatenate %get3A_184, %get3A_187, %dot_general3A_181 in 1 : vector<512x16xf32>, vector<512x16xf32>, vector<512x208xf32> -> vector<512x240xf32>
    %get3A_188 = arith.constant 0 : index
    %get3A_189 = arith.constant 0 : index
    %get3A_190 = vector.load %arg6[%get3A_188, %get3A_189] : memref<240x240xf32, #tpu.memory_space<vmem>>, vector<240x240xf32>
    %dot_general3A_191 = arith.constant dense<0.000000e+00> : vector<512x240xf32>
    %dot_general3A_192 = tpu.matmul %concatenate3A, %get3A_190, %dot_general3A_191 {dimension_numbers = #tpu.dot_dimension_numbers<[1], [0], [0], [1], [0, 0, 1, 1], [], []>, transpose_lhs_hint = false} : vector<512x240xf32>, vector<240x240xf32>, vector<512x240xf32> -> vector<512x240xf32>
    %get3A_193 = arith.constant 0 : index
    %get3A_194 = vector.load %arg7[%get3A_193] : memref<240xf32, #tpu.memory_space<vmem>>, vector<240xf32>
    %broadcast_in_dim3A_195 = vector.shape_cast %get3A_194 : vector<240xf32> to vector<1x240xf32>
    %add3A_196 = vector.broadcast %broadcast_in_dim3A_195 : vector<1x240xf32> to vector<512x240xf32>
    %add3A_197 = arith.addf %dot_general3A_192, %add3A_196 : vector<512x240xf32>
    %mul3A = arith.mulf %concatenate3A, %add3A_197 : vector<512x240xf32>
    %add3A_198 = arith.addf %mul3A, %concatenate3A : vector<512x240xf32>
    %get3A_199 = arith.constant 0 : index
    %get3A_200 = arith.constant 0 : index
    %get3A_201 = vector.load %arg8[%get3A_199, %get3A_200] : memref<240x240xf32, #tpu.memory_space<vmem>>, vector<240x240xf32>
    %dot_general3A_202 = arith.constant dense<0.000000e+00> : vector<512x240xf32>
    %dot_general3A_203 = tpu.matmul %add3A_198, %get3A_201, %dot_general3A_202 {dimension_numbers = #tpu.dot_dimension_numbers<[1], [0], [0], [1], [0, 0, 1, 1], [], []>, transpose_lhs_hint = false} : vector<512x240xf32>, vector<240x240xf32>, vector<512x240xf32> -> vector<512x240xf32>
    %get3A_204 = arith.constant 0 : index
    %get3A_205 = vector.load %arg9[%get3A_204] : memref<240xf32, #tpu.memory_space<vmem>>, vector<240xf32>
    %broadcast_in_dim3A_206 = vector.shape_cast %get3A_205 : vector<240xf32> to vector<1x240xf32>
    %add3A_207 = vector.broadcast %broadcast_in_dim3A_206 : vector<1x240xf32> to vector<512x240xf32>
    %add3A_208 = arith.addf %dot_general3A_203, %add3A_207 : vector<512x240xf32>
    %mul3A_209 = arith.mulf %concatenate3A, %add3A_208 : vector<512x240xf32>
    %add3A_210 = arith.addf %mul3A_209, %add3A_198 : vector<512x240xf32>
    %get3A_211 = arith.constant 0 : index
    %get3A_212 = arith.constant 0 : index
    %get3A_213 = vector.load %arg10[%get3A_211, %get3A_212] : memref<240x240xf32, #tpu.memory_space<vmem>>, vector<240x240xf32>
    %dot_general3A_214 = arith.constant dense<0.000000e+00> : vector<512x240xf32>
    %dot_general3A_215 = tpu.matmul %add3A_210, %get3A_213, %dot_general3A_214 {dimension_numbers = #tpu.dot_dimension_numbers<[1], [0], [0], [1], [0, 0, 1, 1], [], []>, transpose_lhs_hint = false} : vector<512x240xf32>, vector<240x240xf32>, vector<512x240xf32> -> vector<512x240xf32>
    %get3A_216 = arith.constant 0 : index
    %get3A_217 = vector.load %arg11[%get3A_216] : memref<240xf32, #tpu.memory_space<vmem>>, vector<240xf32>
    %broadcast_in_dim3A_218 = vector.shape_cast %get3A_217 : vector<240xf32> to vector<1x240xf32>
    %add3A_219 = vector.broadcast %broadcast_in_dim3A_218 : vector<1x240xf32> to vector<512x240xf32>
    %add3A_220 = arith.addf %dot_general3A_215, %add3A_219 : vector<512x240xf32>
    %mul3A_221 = arith.mulf %concatenate3A, %add3A_220 : vector<512x240xf32>
    %add3A_222 = arith.addf %mul3A_221, %add3A_210 : vector<512x240xf32>
    %get3A_223 = arith.constant 0 : index
    %get3A_224 = arith.constant 0 : index
    %get3A_225 = vector.load %arg12[%get3A_223, %get3A_224] : memref<240x128xf32, #tpu.memory_space<vmem>>, vector<240x128xf32>
    %dot_general3A_226 = arith.constant dense<0.000000e+00> : vector<512x128xf32>
    %dot_general3A_227 = tpu.matmul %add3A_222, %get3A_225, %dot_general3A_226 {dimension_numbers = #tpu.dot_dimension_numbers<[1], [0], [0], [1], [0, 0, 1, 1], [], []>, transpose_lhs_hint = false} : vector<512x240xf32>, vector<240x128xf32>, vector<512x128xf32> -> vector<512x128xf32>
    %get3A_228 = arith.constant 0 : index
    %get3A_229 = vector.load %arg13[%get3A_228] : memref<128xf32, #tpu.memory_space<vmem>>, vector<128xf32>
    %broadcast_in_dim3A_230 = vector.shape_cast %get3A_229 : vector<128xf32> to vector<1x128xf32>
    %add3A_231 = vector.broadcast %broadcast_in_dim3A_230 : vector<1x128xf32> to vector<512x128xf32>
    %add3A_232 = arith.addf %dot_general3A_227, %add3A_231 : vector<512x128xf32>
    %max3A = arith.constant 0.000000e+00 : f32
    %max3A_233 = vector.broadcast %max3A : f32 to vector<512x128xf32>
    %max3A_234 = arith.maximumf %add3A_232, %max3A_233 : vector<512x128xf32>
    %get3A_235 = arith.constant 0 : index
    %get3A_236 = arith.constant 0 : index
    %get3A_237 = vector.load %arg14[%get3A_235, %get3A_236] : memref<128x64xf32, #tpu.memory_space<vmem>>, vector<128x64xf32>
    %dot_general3A_238 = arith.constant dense<0.000000e+00> : vector<512x64xf32>
    %dot_general3A_239 = tpu.matmul %max3A_234, %get3A_237, %dot_general3A_238 {dimension_numbers = #tpu.dot_dimension_numbers<[1], [0], [0], [1], [0, 0, 1, 1], [], []>, transpose_lhs_hint = false} : vector<512x128xf32>, vector<128x64xf32>, vector<512x64xf32> -> vector<512x64xf32>
    %get3A_240 = arith.constant 0 : index
    %get3A_241 = vector.load %arg15[%get3A_240] : memref<64xf32, #tpu.memory_space<vmem>>, vector<64xf32>
    %broadcast_in_dim3A_242 = vector.shape_cast %get3A_241 : vector<64xf32> to vector<1x64xf32>
    %add3A_243 = vector.broadcast %broadcast_in_dim3A_242 : vector<1x64xf32> to vector<512x64xf32>
    %add3A_244 = arith.addf %dot_general3A_239, %add3A_243 : vector<512x64xf32>
    %max3A_245 = arith.constant 0.000000e+00 : f32
    %max3A_246 = vector.broadcast %max3A_245 : f32 to vector<512x64xf32>
    %max3A_247 = arith.maximumf %add3A_244, %max3A_246 : vector<512x64xf32>
    %get3A_248 = arith.constant 0 : index
    %get3A_249 = arith.constant 0 : index
    %get3A_250 = vector.load %arg16[%get3A_248, %get3A_249] : memref<64x32xf32, #tpu.memory_space<vmem>>, vector<64x32xf32>
    %dot_general3A_251 = arith.constant dense<0.000000e+00> : vector<512x32xf32>
    %dot_general3A_252 = tpu.matmul %max3A_247, %get3A_250, %dot_general3A_251 {dimension_numbers = #tpu.dot_dimension_numbers<[1], [0], [0], [1], [0, 0, 1, 1], [], []>, transpose_lhs_hint = false} : vector<512x64xf32>, vector<64x32xf32>, vector<512x32xf32> -> vector<512x32xf32>
    %get3A_253 = arith.constant 0 : index
    %get3A_254 = vector.load %arg17[%get3A_253] : memref<32xf32, #tpu.memory_space<vmem>>, vector<32xf32>
    %broadcast_in_dim3A_255 = vector.shape_cast %get3A_254 : vector<32xf32> to vector<1x32xf32>
    %add3A_256 = vector.broadcast %broadcast_in_dim3A_255 : vector<1x32xf32> to vector<512x32xf32>
    %add3A_257 = arith.addf %dot_general3A_252, %add3A_256 : vector<512x32xf32>
    %max3A_258 = arith.constant 0.000000e+00 : f32
    %max3A_259 = vector.broadcast %max3A_258 : f32 to vector<512x32xf32>
    %max3A_260 = arith.maximumf %add3A_257, %max3A_259 : vector<512x32xf32>
    %get3A_261 = arith.constant 0 : index
    %get3A_262 = arith.constant 0 : index
    %get3A_263 = vector.load %arg18[%get3A_261, %get3A_262] : memref<1x32xf32, #tpu.memory_space<vmem>>, vector<1x32xf32>
    %mul3A_264 = vector.broadcast %get3A_263 : vector<1x32xf32> to vector<512x32xf32>
    %mul3A_265 = arith.mulf %max3A_260, %mul3A_264 : vector<512x32xf32>
    %reduce_sum3A = arith.constant dense<0.000000e+00> : vector<512xf32>
    %reduce_sum3A_266 = vector.multi_reduction <add>, %mul3A_265, %reduce_sum3A [1] : vector<512x32xf32> to vector<512xf32>
    %broadcast_in_dim3A_267 = vector.shape_cast %reduce_sum3A_266 : vector<512xf32> to vector<512x1xf32>
    %get3A_268 = arith.constant 0 : index
    %get3A_269 = vector.load %arg19[%get3A_268] : memref<1xf32, #tpu.memory_space<vmem>>, vector<1xf32>
    %broadcast_in_dim3A_270 = vector.shape_cast %get3A_269 : vector<1xf32> to vector<1x1xf32>
    %add3A_271 = vector.broadcast %broadcast_in_dim3A_270 : vector<1x1xf32> to vector<512x1xf32>
    %add3A_272 = arith.addf %broadcast_in_dim3A_267, %add3A_271 : vector<512x1xf32>
    %neg3A = arith.constant 0.000000e+00 : f32
    %neg3A_273 = vector.broadcast %neg3A : f32 to vector<512x1xf32>
    %neg3A_274 = arith.subf %neg3A_273, %add3A_272 : vector<512x1xf32>
    %exp3A = math.exp %neg3A_274 : vector<512x1xf32>
    %add3A_275 = arith.constant 1.000000e+00 : f32
    %add3A_276 = vector.broadcast %add3A_275 : f32 to vector<512x1xf32>
    %add3A_277 = arith.addf %add3A_276, %exp3A : vector<512x1xf32>
    %div3A = arith.constant 1.000000e+00 : f32
    %div3A_278 = vector.broadcast %div3A : f32 to vector<512x1xf32>
    %div3A_279 = arith.divf %div3A_278, %add3A_277 : vector<512x1xf32>
    %swap3A = arith.constant 0 : index
    %swap3A_280 = arith.constant 0 : index
    %swap3A_281 = vector.load %arg20[%swap3A, %swap3A_280] : memref<512x1xf32, #tpu.memory_space<vmem>>, vector<512x1xf32>
    tpu.vector_store %arg20[%swap3A, %swap3A_280], %div3A_279 {strides = array<i32>} : memref<512x1xf32, #tpu.memory_space<vmem>>, vector<512x1xf32>,
    %broadcast_in_dim3A_282 = vector.shape_cast %div3A_279 : vector<512x1xf32> to vector<512x1xf32>
    %broadcast_in_dim3A_283 = vector.broadcast %broadcast_in_dim3A_282 : vector<512x1xf32> to vector<512x128xf32>
    %swap3A_284 = arith.constant 0 : index
    %swap3A_285 = arith.constant 0 : index
    %swap3A_286 = vector.load %arg21[%swap3A_284, %swap3A_285] : memref<512x128xf32, #tpu.memory_space<vmem>>, vector<512x128xf32>
    tpu.vector_store %arg21[%swap3A_284, %swap3A_285], %broadcast_in_dim3A_283 {strides = array<i32>} : memref<512x128xf32, #tpu.memory_space<vmem>>, vector<512x128xf32>,
    %get3A_287 = arith.constant 0 : index
    %get3A_288 = arith.constant 0 : index
    %get3A_289 = vector.load %arg4[%get3A_287, %get3A_288] : memref<512x1xf32, #tpu.memory_space<vmem>>, vector<512x1xf32>
    %add3A_290 = arith.constant 9.99999997E-7 : f32
    %add3A_291 = vector.broadcast %add3A_290 : f32 to vector<512x1xf32>
    %add3A_292 = arith.addf %div3A_279, %add3A_291 : vector<512x1xf32>
    %log3A = math.log %add3A_292 : vector<512x1xf32>
    %mul3A_293 = arith.mulf %get3A_289, %log3A : vector<512x1xf32>
    %sub3A = arith.constant 1.000000e+00 : f32
    %sub3A_294 = vector.broadcast %sub3A : f32 to vector<512x1xf32>
    %sub3A_295 = arith.subf %sub3A_294, %get3A_289 : vector<512x1xf32>
    %sub3A_296 = arith.constant 1.000000e+00 : f32
    %sub3A_297 = vector.broadcast %sub3A_296 : f32 to vector<512x1xf32>
    %sub3A_298 = arith.subf %sub3A_297, %div3A_279 : vector<512x1xf32>
    %add3A_299 = arith.constant 9.99999997E-7 : f32
    %add3A_300 = vector.broadcast %add3A_299 : f32 to vector<512x1xf32>
    %add3A_301 = arith.addf %sub3A_298, %add3A_300 : vector<512x1xf32>
    %log3A_302 = math.log %add3A_301 : vector<512x1xf32>
    %mul3A_303 = arith.mulf %sub3A_295, %log3A_302 : vector<512x1xf32>
    %add3A_304 = arith.addf %mul3A_293, %mul3A_303 : vector<512x1xf32>
    %reduce_sum3A_305 = vector.shape_cast %add3A_304 : vector<512x1xf32> to vector<1x512x1xf32>
    %reduce_sum3A_306 = arith.constant dense<0.000000e+00> : vector<1xf32>
    %reduce_sum3A_307 = vector.multi_reduction <add>, %reduce_sum3A_305, %reduce_sum3A_306 [1, 2] : vector<1x512x1xf32> to vector<1xf32>
    %reduce_sum3A_308 = vector.shape_cast %reduce_sum3A_307 : vector<1xf32> to vector<1x1x1xf32>
    %reduce_sum3A_309 = vector.extract %reduce_sum3A_308[0, 0, 0] : f32 from vector<1x1x1xf32>
    %neg3A_310 = arith.constant 0.000000e+00 : f32
    %neg3A_311 = arith.subf %neg3A_310, %reduce_sum3A_309 : f32
    %eq3A_312 = arith.constant 0 : i32
    %eq3A_313 = arith.cmpi eq, %arg0, %eq3A_312 : i32
    %convert_element_type3A = arith.extui %eq3A_313 : i1 to i32
    %cond3A = arith.constant 0 : i32
    %cond3A_314 = arith.cmpi ne, %convert_element_type3A, %cond3A : i32
    scf.if %cond3A_314 {
      %broadcast_in_dim3A_323 = arith.constant 0.000000e+00 : f32
      %broadcast_in_dim3A_324 = vector.broadcast %broadcast_in_dim3A_323 : f32 to vector<1x128xf32>
      %swap3A_325 = arith.constant 0 : index
      %swap3A_326 = arith.constant 0 : index
      %swap3A_327 = vector.load %arg22[%swap3A_325, %swap3A_326] : memref<1x128xf32, #tpu.memory_space<vmem>>, vector<1x128xf32>
      tpu.vector_store %arg22[%swap3A_325, %swap3A_326], %broadcast_in_dim3A_324 {strides = array<i32>} : memref<1x128xf32, #tpu.memory_space<vmem>>, vector<1x128xf32>,
    } else {
    }
    %get3A_315 = arith.constant 0 : index
    %get3A_316 = arith.constant 0 : index
    %get3A_317 = vector.load %arg22[%get3A_315, %get3A_316] : memref<1x128xf32, #tpu.memory_space<vmem>>, vector<1x128xf32>
    %broadcast_in_dim3A_318 = vector.broadcast %neg3A_311 : f32 to vector<1x128xf32>
    %add3A_319 = arith.addf %get3A_317, %broadcast_in_dim3A_318 : vector<1x128xf32>
    %swap3A_320 = arith.constant 0 : index
    %swap3A_321 = arith.constant 0 : index
    %swap3A_322 = vector.load %arg22[%swap3A_320, %swap3A_321] : memref<1x128xf32, #tpu.memory_space<vmem>>, vector<1x128xf32>
    tpu.vector_store %arg22[%swap3A_320, %swap3A_321], %add3A_319 {strides = array<i32>} : memref<1x128xf32, #tpu.memory_space<vmem>>, vector<1x128xf32>,
    return
  }
  func.func @transform_0(%arg0: i32) -> (i32, i32) {
    %c0_i32 = arith.constant 0 : i32
    %c0_i32_0 = arith.constant 0 : i32
    return %arg0, %c0_i32 : i32, i32
  }
  func.func @transform_1(%arg0: i32) -> (i32, i32) {
    %c0_i32 = arith.constant 0 : i32
    %c0_i32_0 = arith.constant 0 : i32
    return %arg0, %c0_i32 : i32, i32
  }
  func.func @transform_2(%arg0: i32) -> (i32, i32) {
    %c0_i32 = arith.constant 0 : i32
    %c0_i32_0 = arith.constant 0 : i32
    return %arg0, %c0_i32 : i32, i32
  }
  func.func @transform_3(%arg0: i32) -> (i32, i32) {
    %c0_i32 = arith.constant 0 : i32
    %c0_i32_0 = arith.constant 0 : i32
    return %arg0, %c0_i32 : i32, i32
  }
  func.func @transform_4(%arg0: i32) -> (i32, i32) {
    %c0_i32 = arith.constant 0 : i32
    %c0_i32_0 = arith.constant 0 : i32
    %c0_i32_1 = arith.constant 0 : i32
    return %c0_i32, %c0_i32_0 : i32, i32
  }
  func.func @transform_5(%arg0: i32) -> (i32, i32) {
    %c0_i32 = arith.constant 0 : i32
    %c0_i32_0 = arith.constant 0 : i32
    %c0_i32_1 = arith.constant 0 : i32
    return %c0_i32, %c0_i32_0 : i32, i32
  }
  func.func @transform_6(%arg0: i32) -> i32 {
    %c0_i32 = arith.constant 0 : i32
    %c0_i32_0 = arith.constant 0 : i32
    return %c0_i32 : i32
  }
  func.func @transform_7(%arg0: i32) -> (i32, i32) {
    %c0_i32 = arith.constant 0 : i32
    %c0_i32_0 = arith.constant 0 : i32
    %c0_i32_1 = arith.constant 0 : i32
    return %c0_i32, %c0_i32_0 : i32, i32
  }
  func.func @transform_8(%arg0: i32) -> i32 {
    %c0_i32 = arith.constant 0 : i32
    %c0_i32_0 = arith.constant 0 : i32
    return %c0_i32 : i32
  }
  func.func @transform_9(%arg0: i32) -> (i32, i32) {
    %c0_i32 = arith.constant 0 : i32
    %c0_i32_0 = arith.constant 0 : i32
    %c0_i32_1 = arith.constant 0 : i32
    return %c0_i32, %c0_i32_0 : i32, i32
  }
  func.func @transform_10(%arg0: i32) -> i32 {
    %c0_i32 = arith.constant 0 : i32
    %c0_i32_0 = arith.constant 0 : i32
    return %c0_i32 : i32
  }
  func.func @transform_11(%arg0: i32) -> (i32, i32) {
    %c0_i32 = arith.constant 0 : i32
    %c0_i32_0 = arith.constant 0 : i32
    %c0_i32_1 = arith.constant 0 : i32
    return %c0_i32, %c0_i32_0 : i32, i32
  }
  func.func @transform_12(%arg0: i32) -> i32 {
    %c0_i32 = arith.constant 0 : i32
    %c0_i32_0 = arith.constant 0 : i32
    return %c0_i32 : i32
  }
  func.func @transform_13(%arg0: i32) -> (i32, i32) {
    %c0_i32 = arith.constant 0 : i32
    %c0_i32_0 = arith.constant 0 : i32
    %c0_i32_1 = arith.constant 0 : i32
    return %c0_i32, %c0_i32_0 : i32, i32
  }
  func.func @transform_14(%arg0: i32) -> i32 {
    %c0_i32 = arith.constant 0 : i32
    %c0_i32_0 = arith.constant 0 : i32
    return %c0_i32 : i32
  }
  func.func @transform_15(%arg0: i32) -> (i32, i32) {
    %c0_i32 = arith.constant 0 : i32
    %c0_i32_0 = arith.constant 0 : i32
    %c0_i32_1 = arith.constant 0 : i32
    return %c0_i32, %c0_i32_0 : i32, i32
  }
  func.func @transform_16(%arg0: i32) -> i32 {
    %c0_i32 = arith.constant 0 : i32
    %c0_i32_0 = arith.constant 0 : i32
    return %c0_i32 : i32
  }
  func.func @transform_17(%arg0: i32) -> (i32, i32) {
    %c0_i32 = arith.constant 0 : i32
    %c0_i32_0 = arith.constant 0 : i32
    %c0_i32_1 = arith.constant 0 : i32
    return %c0_i32, %c0_i32_0 : i32, i32
  }
  func.func @transform_18(%arg0: i32) -> i32 {
    %c0_i32 = arith.constant 0 : i32
    %c0_i32_0 = arith.constant 0 : i32
    return %c0_i32 : i32
  }
  func.func @transform_19(%arg0: i32) -> (i32, i32) {
    %c0_i32 = arith.constant 0 : i32
    %c0_i32_0 = arith.constant 0 : i32
    return %arg0, %c0_i32 : i32, i32
  }
  func.func @transform_20(%arg0: i32) -> (i32, i32) {
    %c0_i32 = arith.constant 0 : i32
    %c0_i32_0 = arith.constant 0 : i32
    return %arg0, %c0_i32 : i32, i32
  }
  func.func @transform_21(%arg0: i32) -> (i32, i32) {
    %c0_i32 = arith.constant 0 : i32
    %c0_i32_0 = arith.constant 0 : i32
    %c0_i32_1 = arith.constant 0 : i32
    return %c0_i32, %c0_i32_0 : i32, i32
  }
}

module attributes {stable_mosaic.version = 14 : i64} {
  func.func @_auc_body(%arg0: i32, %arg1: memref<8x128xf32, #tpu.memory_space<vmem>>, %arg2: memref<8x128xf32, #tpu.memory_space<vmem>>, %arg3: memref<16384x128xf32, #tpu.memory_space<vmem>>, %arg4: memref<1x128xf32, #tpu.memory_space<vmem>>, %arg5: memref<1x128xf32, #tpu.memory_space<vmem>>) attributes {dimension_semantics = [#tpu.dimension_semantics<arbitrary>], iteration_bounds = array<i64: 16>, scalar_prefetch = 0 : i64, scratch_operands = 0 : i64, tpu.core_type = #tpu.core_type<tc>, window_params = [{transform_indices = @transform_0, window_bounds = array<i64: 8, 128>}, {transform_indices = @transform_1, window_bounds = array<i64: 8, 128>}, {pipeline_mode = #tpu.pipeline_mode<synchronous>, transform_indices = @transform_2, window_bounds = array<i64: 16384, 128>}, {pipeline_mode = #tpu.pipeline_mode<synchronous>, transform_indices = @transform_3, window_bounds = array<i64: 1, 128>}, {pipeline_mode = #tpu.pipeline_mode<synchronous>, transform_indices = @transform_4, window_bounds = array<i64: 1, 128>}]} {
    %get3A = arith.constant 0 : index
    %get3A_0 = arith.constant 0 : index
    %get3A_1 = vector.load %arg1[%get3A, %get3A_0] : memref<8x128xf32, #tpu.memory_space<vmem>>, vector<8x128xf32>
    %get3A_2 = arith.constant 0 : index
    %get3A_3 = arith.constant 0 : index
    %get3A_4 = vector.load %arg2[%get3A_2, %get3A_3] : memref<8x128xf32, #tpu.memory_space<vmem>>, vector<8x128xf32>
    %slice3A = vector.extract_strided_slice %get3A_1 {offsets = [0, 0], sizes = [1, 128], strides = [1, 1]} : vector<8x128xf32> to vector<1x128xf32>
    %broadcast_in_dim3A = vector.shape_cast %slice3A : vector<1x128xf32> to vector<1x128xf32>
    %broadcast_in_dim3A_5 = vector.broadcast %broadcast_in_dim3A : vector<1x128xf32> to vector<8x128xf32>
    %slice3A_6 = vector.extract_strided_slice %get3A_1 {offsets = [1, 0], sizes = [1, 128], strides = [1, 1]} : vector<8x128xf32> to vector<1x128xf32>
    %broadcast_in_dim3A_7 = vector.shape_cast %slice3A_6 : vector<1x128xf32> to vector<1x128xf32>
    %broadcast_in_dim3A_8 = vector.broadcast %broadcast_in_dim3A_7 : vector<1x128xf32> to vector<8x128xf32>
    %broadcast_in_dim3A_9 = arith.constant 0.000000e+00 : f32
    %broadcast_in_dim3A_10 = vector.broadcast %broadcast_in_dim3A_9 : f32 to vector<8x128xf32>
    %broadcast_in_dim3A_11 = arith.constant 0.000000e+00 : f32
    %broadcast_in_dim3A_12 = vector.broadcast %broadcast_in_dim3A_11 : f32 to vector<8x128xf32>
    %scan3A = arith.constant 0 : i32
    %scan3A_13 = arith.constant 2048 : i32
    %scan3A_14 = arith.addi %scan3A, %scan3A_13 : i32
    %scan3A_15 = arith.constant 8 : i32
    %scan3A_16:2 = scf.for %scan3A_174 = %scan3A to %scan3A_14 step %scan3A_15 iter_args(%scan3A_175 = %broadcast_in_dim3A_10, %scan3A_176 = %broadcast_in_dim3A_12) -> (vector<8x128xf32>, vector<8x128xf32>)  : i32 {
      %mul3A_177 = arith.constant 8 : i32
      %mul3A_178 = arith.muli %scan3A_174, %mul3A_177 : i32
      %get3A_179 = arith.index_cast %mul3A_178 : i32 to index
      %get3A_180 = arith.constant 0 : index
      %get3A_181 = vector.load %arg3[%get3A_179, %get3A_180] : memref<16384x128xf32, #tpu.memory_space<vmem>>, vector<8x128xf32>
      %lt3A = arith.cmpf olt, %get3A_181, %broadcast_in_dim3A_5 : vector<8x128xf32>
      %jit3A = arith.constant 1.000000e+00 : f32
      %jit3A_182 = arith.constant 0.000000e+00 : f32
      %broadcast_in_dim3A_183 = vector.broadcast %jit3A : f32 to vector<8x128xf32>
      %broadcast_in_dim3A_184 = vector.broadcast %jit3A_182 : f32 to vector<8x128xf32>
      %select_n3A = arith.select %lt3A, %broadcast_in_dim3A_183, %broadcast_in_dim3A_184 : vector<8x128xi1>, vector<8x128xf32>
      %add3A_185 = arith.addf %scan3A_175, %select_n3A : vector<8x128xf32>
      %lt3A_186 = arith.cmpf olt, %get3A_181, %broadcast_in_dim3A_8 : vector<8x128xf32>
      %jit3A_187 = arith.constant 1.000000e+00 : f32
      %jit3A_188 = arith.constant 0.000000e+00 : f32
      %broadcast_in_dim3A_189 = vector.broadcast %jit3A_187 : f32 to vector<8x128xf32>
      %broadcast_in_dim3A_190 = vector.broadcast %jit3A_188 : f32 to vector<8x128xf32>
      %select_n3A_191 = arith.select %lt3A_186, %broadcast_in_dim3A_189, %broadcast_in_dim3A_190 : vector<8x128xi1>, vector<8x128xf32>
      %add3A_192 = arith.addf %scan3A_176, %select_n3A_191 : vector<8x128xf32>
      %scan3A_193 = arith.constant 1 : i32
      %scan3A_194 = arith.addi %scan3A_174, %scan3A_193 : i32
      %mul3A_195 = arith.constant 8 : i32
      %mul3A_196 = arith.muli %scan3A_194, %mul3A_195 : i32
      %get3A_197 = arith.index_cast %mul3A_196 : i32 to index
      %get3A_198 = arith.constant 0 : index
      %get3A_199 = vector.load %arg3[%get3A_197, %get3A_198] : memref<16384x128xf32, #tpu.memory_space<vmem>>, vector<8x128xf32>
      %lt3A_200 = arith.cmpf olt, %get3A_199, %broadcast_in_dim3A_5 : vector<8x128xf32>
      %jit3A_201 = arith.constant 1.000000e+00 : f32
      %jit3A_202 = arith.constant 0.000000e+00 : f32
      %broadcast_in_dim3A_203 = vector.broadcast %jit3A_201 : f32 to vector<8x128xf32>
      %broadcast_in_dim3A_204 = vector.broadcast %jit3A_202 : f32 to vector<8x128xf32>
      %select_n3A_205 = arith.select %lt3A_200, %broadcast_in_dim3A_203, %broadcast_in_dim3A_204 : vector<8x128xi1>, vector<8x128xf32>
      %add3A_206 = arith.addf %add3A_185, %select_n3A_205 : vector<8x128xf32>
      %lt3A_207 = arith.cmpf olt, %get3A_199, %broadcast_in_dim3A_8 : vector<8x128xf32>
      %jit3A_208 = arith.constant 1.000000e+00 : f32
      %jit3A_209 = arith.constant 0.000000e+00 : f32
      %broadcast_in_dim3A_210 = vector.broadcast %jit3A_208 : f32 to vector<8x128xf32>
      %broadcast_in_dim3A_211 = vector.broadcast %jit3A_209 : f32 to vector<8x128xf32>
      %select_n3A_212 = arith.select %lt3A_207, %broadcast_in_dim3A_210, %broadcast_in_dim3A_211 : vector<8x128xi1>, vector<8x128xf32>
      %add3A_213 = arith.addf %add3A_192, %select_n3A_212 : vector<8x128xf32>
      %scan3A_214 = arith.constant 2 : i32
      %scan3A_215 = arith.addi %scan3A_174, %scan3A_214 : i32
      %mul3A_216 = arith.constant 8 : i32
      %mul3A_217 = arith.muli %scan3A_215, %mul3A_216 : i32
      %get3A_218 = arith.index_cast %mul3A_217 : i32 to index
      %get3A_219 = arith.constant 0 : index
      %get3A_220 = vector.load %arg3[%get3A_218, %get3A_219] : memref<16384x128xf32, #tpu.memory_space<vmem>>, vector<8x128xf32>
      %lt3A_221 = arith.cmpf olt, %get3A_220, %broadcast_in_dim3A_5 : vector<8x128xf32>
      %jit3A_222 = arith.constant 1.000000e+00 : f32
      %jit3A_223 = arith.constant 0.000000e+00 : f32
      %broadcast_in_dim3A_224 = vector.broadcast %jit3A_222 : f32 to vector<8x128xf32>
      %broadcast_in_dim3A_225 = vector.broadcast %jit3A_223 : f32 to vector<8x128xf32>
      %select_n3A_226 = arith.select %lt3A_221, %broadcast_in_dim3A_224, %broadcast_in_dim3A_225 : vector<8x128xi1>, vector<8x128xf32>
      %add3A_227 = arith.addf %add3A_206, %select_n3A_226 : vector<8x128xf32>
      %lt3A_228 = arith.cmpf olt, %get3A_220, %broadcast_in_dim3A_8 : vector<8x128xf32>
      %jit3A_229 = arith.constant 1.000000e+00 : f32
      %jit3A_230 = arith.constant 0.000000e+00 : f32
      %broadcast_in_dim3A_231 = vector.broadcast %jit3A_229 : f32 to vector<8x128xf32>
      %broadcast_in_dim3A_232 = vector.broadcast %jit3A_230 : f32 to vector<8x128xf32>
      %select_n3A_233 = arith.select %lt3A_228, %broadcast_in_dim3A_231, %broadcast_in_dim3A_232 : vector<8x128xi1>, vector<8x128xf32>
      %add3A_234 = arith.addf %add3A_213, %select_n3A_233 : vector<8x128xf32>
      %scan3A_235 = arith.constant 3 : i32
      %scan3A_236 = arith.addi %scan3A_174, %scan3A_235 : i32
      %mul3A_237 = arith.constant 8 : i32
      %mul3A_238 = arith.muli %scan3A_236, %mul3A_237 : i32
      %get3A_239 = arith.index_cast %mul3A_238 : i32 to index
      %get3A_240 = arith.constant 0 : index
      %get3A_241 = vector.load %arg3[%get3A_239, %get3A_240] : memref<16384x128xf32, #tpu.memory_space<vmem>>, vector<8x128xf32>
      %lt3A_242 = arith.cmpf olt, %get3A_241, %broadcast_in_dim3A_5 : vector<8x128xf32>
      %jit3A_243 = arith.constant 1.000000e+00 : f32
      %jit3A_244 = arith.constant 0.000000e+00 : f32
      %broadcast_in_dim3A_245 = vector.broadcast %jit3A_243 : f32 to vector<8x128xf32>
      %broadcast_in_dim3A_246 = vector.broadcast %jit3A_244 : f32 to vector<8x128xf32>
      %select_n3A_247 = arith.select %lt3A_242, %broadcast_in_dim3A_245, %broadcast_in_dim3A_246 : vector<8x128xi1>, vector<8x128xf32>
      %add3A_248 = arith.addf %add3A_227, %select_n3A_247 : vector<8x128xf32>
      %lt3A_249 = arith.cmpf olt, %get3A_241, %broadcast_in_dim3A_8 : vector<8x128xf32>
      %jit3A_250 = arith.constant 1.000000e+00 : f32
      %jit3A_251 = arith.constant 0.000000e+00 : f32
      %broadcast_in_dim3A_252 = vector.broadcast %jit3A_250 : f32 to vector<8x128xf32>
      %broadcast_in_dim3A_253 = vector.broadcast %jit3A_251 : f32 to vector<8x128xf32>
      %select_n3A_254 = arith.select %lt3A_249, %broadcast_in_dim3A_252, %broadcast_in_dim3A_253 : vector<8x128xi1>, vector<8x128xf32>
      %add3A_255 = arith.addf %add3A_234, %select_n3A_254 : vector<8x128xf32>
      %scan3A_256 = arith.constant 4 : i32
      %scan3A_257 = arith.addi %scan3A_174, %scan3A_256 : i32
      %mul3A_258 = arith.constant 8 : i32
      %mul3A_259 = arith.muli %scan3A_257, %mul3A_258 : i32
      %get3A_260 = arith.index_cast %mul3A_259 : i32 to index
      %get3A_261 = arith.constant 0 : index
      %get3A_262 = vector.load %arg3[%get3A_260, %get3A_261] : memref<16384x128xf32, #tpu.memory_space<vmem>>, vector<8x128xf32>
      %lt3A_263 = arith.cmpf olt, %get3A_262, %broadcast_in_dim3A_5 : vector<8x128xf32>
      %jit3A_264 = arith.constant 1.000000e+00 : f32
      %jit3A_265 = arith.constant 0.000000e+00 : f32
      %broadcast_in_dim3A_266 = vector.broadcast %jit3A_264 : f32 to vector<8x128xf32>
      %broadcast_in_dim3A_267 = vector.broadcast %jit3A_265 : f32 to vector<8x128xf32>
      %select_n3A_268 = arith.select %lt3A_263, %broadcast_in_dim3A_266, %broadcast_in_dim3A_267 : vector<8x128xi1>, vector<8x128xf32>
      %add3A_269 = arith.addf %add3A_248, %select_n3A_268 : vector<8x128xf32>
      %lt3A_270 = arith.cmpf olt, %get3A_262, %broadcast_in_dim3A_8 : vector<8x128xf32>
      %jit3A_271 = arith.constant 1.000000e+00 : f32
      %jit3A_272 = arith.constant 0.000000e+00 : f32
      %broadcast_in_dim3A_273 = vector.broadcast %jit3A_271 : f32 to vector<8x128xf32>
      %broadcast_in_dim3A_274 = vector.broadcast %jit3A_272 : f32 to vector<8x128xf32>
      %select_n3A_275 = arith.select %lt3A_270, %broadcast_in_dim3A_273, %broadcast_in_dim3A_274 : vector<8x128xi1>, vector<8x128xf32>
      %add3A_276 = arith.addf %add3A_255, %select_n3A_275 : vector<8x128xf32>
      %scan3A_277 = arith.constant 5 : i32
      %scan3A_278 = arith.addi %scan3A_174, %scan3A_277 : i32
      %mul3A_279 = arith.constant 8 : i32
      %mul3A_280 = arith.muli %scan3A_278, %mul3A_279 : i32
      %get3A_281 = arith.index_cast %mul3A_280 : i32 to index
      %get3A_282 = arith.constant 0 : index
      %get3A_283 = vector.load %arg3[%get3A_281, %get3A_282] : memref<16384x128xf32, #tpu.memory_space<vmem>>, vector<8x128xf32>
      %lt3A_284 = arith.cmpf olt, %get3A_283, %broadcast_in_dim3A_5 : vector<8x128xf32>
      %jit3A_285 = arith.constant 1.000000e+00 : f32
      %jit3A_286 = arith.constant 0.000000e+00 : f32
      %broadcast_in_dim3A_287 = vector.broadcast %jit3A_285 : f32 to vector<8x128xf32>
      %broadcast_in_dim3A_288 = vector.broadcast %jit3A_286 : f32 to vector<8x128xf32>
      %select_n3A_289 = arith.select %lt3A_284, %broadcast_in_dim3A_287, %broadcast_in_dim3A_288 : vector<8x128xi1>, vector<8x128xf32>
      %add3A_290 = arith.addf %add3A_269, %select_n3A_289 : vector<8x128xf32>
      %lt3A_291 = arith.cmpf olt, %get3A_283, %broadcast_in_dim3A_8 : vector<8x128xf32>
      %jit3A_292 = arith.constant 1.000000e+00 : f32
      %jit3A_293 = arith.constant 0.000000e+00 : f32
      %broadcast_in_dim3A_294 = vector.broadcast %jit3A_292 : f32 to vector<8x128xf32>
      %broadcast_in_dim3A_295 = vector.broadcast %jit3A_293 : f32 to vector<8x128xf32>
      %select_n3A_296 = arith.select %lt3A_291, %broadcast_in_dim3A_294, %broadcast_in_dim3A_295 : vector<8x128xi1>, vector<8x128xf32>
      %add3A_297 = arith.addf %add3A_276, %select_n3A_296 : vector<8x128xf32>
      %scan3A_298 = arith.constant 6 : i32
      %scan3A_299 = arith.addi %scan3A_174, %scan3A_298 : i32
      %mul3A_300 = arith.constant 8 : i32
      %mul3A_301 = arith.muli %scan3A_299, %mul3A_300 : i32
      %get3A_302 = arith.index_cast %mul3A_301 : i32 to index
      %get3A_303 = arith.constant 0 : index
      %get3A_304 = vector.load %arg3[%get3A_302, %get3A_303] : memref<16384x128xf32, #tpu.memory_space<vmem>>, vector<8x128xf32>
      %lt3A_305 = arith.cmpf olt, %get3A_304, %broadcast_in_dim3A_5 : vector<8x128xf32>
      %jit3A_306 = arith.constant 1.000000e+00 : f32
      %jit3A_307 = arith.constant 0.000000e+00 : f32
      %broadcast_in_dim3A_308 = vector.broadcast %jit3A_306 : f32 to vector<8x128xf32>
      %broadcast_in_dim3A_309 = vector.broadcast %jit3A_307 : f32 to vector<8x128xf32>
      %select_n3A_310 = arith.select %lt3A_305, %broadcast_in_dim3A_308, %broadcast_in_dim3A_309 : vector<8x128xi1>, vector<8x128xf32>
      %add3A_311 = arith.addf %add3A_290, %select_n3A_310 : vector<8x128xf32>
      %lt3A_312 = arith.cmpf olt, %get3A_304, %broadcast_in_dim3A_8 : vector<8x128xf32>
      %jit3A_313 = arith.constant 1.000000e+00 : f32
      %jit3A_314 = arith.constant 0.000000e+00 : f32
      %broadcast_in_dim3A_315 = vector.broadcast %jit3A_313 : f32 to vector<8x128xf32>
      %broadcast_in_dim3A_316 = vector.broadcast %jit3A_314 : f32 to vector<8x128xf32>
      %select_n3A_317 = arith.select %lt3A_312, %broadcast_in_dim3A_315, %broadcast_in_dim3A_316 : vector<8x128xi1>, vector<8x128xf32>
      %add3A_318 = arith.addf %add3A_297, %select_n3A_317 : vector<8x128xf32>
      %scan3A_319 = arith.constant 7 : i32
      %scan3A_320 = arith.addi %scan3A_174, %scan3A_319 : i32
      %mul3A_321 = arith.constant 8 : i32
      %mul3A_322 = arith.muli %scan3A_320, %mul3A_321 : i32
      %get3A_323 = arith.index_cast %mul3A_322 : i32 to index
      %get3A_324 = arith.constant 0 : index
      %get3A_325 = vector.load %arg3[%get3A_323, %get3A_324] : memref<16384x128xf32, #tpu.memory_space<vmem>>, vector<8x128xf32>
      %lt3A_326 = arith.cmpf olt, %get3A_325, %broadcast_in_dim3A_5 : vector<8x128xf32>
      %jit3A_327 = arith.constant 1.000000e+00 : f32
      %jit3A_328 = arith.constant 0.000000e+00 : f32
      %broadcast_in_dim3A_329 = vector.broadcast %jit3A_327 : f32 to vector<8x128xf32>
      %broadcast_in_dim3A_330 = vector.broadcast %jit3A_328 : f32 to vector<8x128xf32>
      %select_n3A_331 = arith.select %lt3A_326, %broadcast_in_dim3A_329, %broadcast_in_dim3A_330 : vector<8x128xi1>, vector<8x128xf32>
      %add3A_332 = arith.addf %add3A_311, %select_n3A_331 : vector<8x128xf32>
      %lt3A_333 = arith.cmpf olt, %get3A_325, %broadcast_in_dim3A_8 : vector<8x128xf32>
      %jit3A_334 = arith.constant 1.000000e+00 : f32
      %jit3A_335 = arith.constant 0.000000e+00 : f32
      %broadcast_in_dim3A_336 = vector.broadcast %jit3A_334 : f32 to vector<8x128xf32>
      %broadcast_in_dim3A_337 = vector.broadcast %jit3A_335 : f32 to vector<8x128xf32>
      %select_n3A_338 = arith.select %lt3A_333, %broadcast_in_dim3A_336, %broadcast_in_dim3A_337 : vector<8x128xi1>, vector<8x128xf32>
      %add3A_339 = arith.addf %add3A_318, %select_n3A_338 : vector<8x128xf32>
      scf.yield %add3A_332, %add3A_339 : vector<8x128xf32>, vector<8x128xf32>
    }
    %scan3A_17 = arith.constant 2048 : i32
    %reduce_sum3A = arith.constant dense<0.000000e+00> : vector<128xf32>
    %reduce_sum3A_18 = vector.multi_reduction <add>, %scan3A_16#0, %reduce_sum3A [0] : vector<8x128xf32> to vector<128xf32>
    %broadcast_in_dim3A_19 = vector.shape_cast %reduce_sum3A_18 : vector<128xf32> to vector<1x128xf32>
    %reduce_sum3A_20 = arith.constant dense<0.000000e+00> : vector<128xf32>
    %reduce_sum3A_21 = vector.multi_reduction <add>, %scan3A_16#1, %reduce_sum3A_20 [0] : vector<8x128xf32> to vector<128xf32>
    %broadcast_in_dim3A_22 = vector.shape_cast %reduce_sum3A_21 : vector<128xf32> to vector<1x128xf32>
    %slice3A_23 = vector.extract_strided_slice %get3A_4 {offsets = [0, 0], sizes = [1, 128], strides = [1, 1]} : vector<8x128xf32> to vector<1x128xf32>
    %mul3A = arith.mulf %slice3A_23, %broadcast_in_dim3A_19 : vector<1x128xf32>
    %reduce_sum3A_24 = vector.shape_cast %mul3A : vector<1x128xf32> to vector<1x1x128xf32>
    %reduce_sum3A_25 = arith.constant dense<0.000000e+00> : vector<1xf32>
    %reduce_sum3A_26 = vector.multi_reduction <add>, %reduce_sum3A_24, %reduce_sum3A_25 [1, 2] : vector<1x1x128xf32> to vector<1xf32>
    %reduce_sum3A_27 = vector.shape_cast %reduce_sum3A_26 : vector<1xf32> to vector<1x1x1xf32>
    %reduce_sum3A_28 = vector.extract %reduce_sum3A_27[0, 0, 0] : f32 from vector<1x1x1xf32>
    %add3A = arith.constant 0.000000e+00 : f32
    %add3A_29 = arith.addf %add3A, %reduce_sum3A_28 : f32
    %slice3A_30 = vector.extract_strided_slice %get3A_4 {offsets = [1, 0], sizes = [1, 128], strides = [1, 1]} : vector<8x128xf32> to vector<1x128xf32>
    %mul3A_31 = arith.mulf %slice3A_30, %broadcast_in_dim3A_22 : vector<1x128xf32>
    %reduce_sum3A_32 = vector.shape_cast %mul3A_31 : vector<1x128xf32> to vector<1x1x128xf32>
    %reduce_sum3A_33 = arith.constant dense<0.000000e+00> : vector<1xf32>
    %reduce_sum3A_34 = vector.multi_reduction <add>, %reduce_sum3A_32, %reduce_sum3A_33 [1, 2] : vector<1x1x128xf32> to vector<1xf32>
    %reduce_sum3A_35 = vector.shape_cast %reduce_sum3A_34 : vector<1xf32> to vector<1x1x1xf32>
    %reduce_sum3A_36 = vector.extract %reduce_sum3A_35[0, 0, 0] : f32 from vector<1x1x1xf32>
    %add3A_37 = arith.addf %add3A_29, %reduce_sum3A_36 : f32
    %slice3A_38 = vector.extract_strided_slice %get3A_1 {offsets = [2, 0], sizes = [1, 128], strides = [1, 1]} : vector<8x128xf32> to vector<1x128xf32>
    %broadcast_in_dim3A_39 = vector.shape_cast %slice3A_38 : vector<1x128xf32> to vector<1x128xf32>
    %broadcast_in_dim3A_40 = vector.broadcast %broadcast_in_dim3A_39 : vector<1x128xf32> to vector<8x128xf32>
    %slice3A_41 = vector.extract_strided_slice %get3A_1 {offsets = [3, 0], sizes = [1, 128], strides = [1, 1]} : vector<8x128xf32> to vector<1x128xf32>
    %broadcast_in_dim3A_42 = vector.shape_cast %slice3A_41 : vector<1x128xf32> to vector<1x128xf32>
    %broadcast_in_dim3A_43 = vector.broadcast %broadcast_in_dim3A_42 : vector<1x128xf32> to vector<8x128xf32>
    %broadcast_in_dim3A_44 = arith.constant 0.000000e+00 : f32
    %broadcast_in_dim3A_45 = vector.broadcast %broadcast_in_dim3A_44 : f32 to vector<8x128xf32>
    %broadcast_in_dim3A_46 = arith.constant 0.000000e+00 : f32
    %broadcast_in_dim3A_47 = vector.broadcast %broadcast_in_dim3A_46 : f32 to vector<8x128xf32>
    %scan3A_48 = arith.constant 0 : i32
    %scan3A_49 = arith.constant 2048 : i32
    %scan3A_50 = arith.addi %scan3A_48, %scan3A_49 : i32
    %scan3A_51 = arith.constant 8 : i32
    %scan3A_52:2 = scf.for %scan3A_174 = %scan3A_48 to %scan3A_50 step %scan3A_51 iter_args(%scan3A_175 = %broadcast_in_dim3A_45, %scan3A_176 = %broadcast_in_dim3A_47) -> (vector<8x128xf32>, vector<8x128xf32>)  : i32 {
      %mul3A_177 = arith.constant 8 : i32
      %mul3A_178 = arith.muli %scan3A_174, %mul3A_177 : i32
      %get3A_179 = arith.index_cast %mul3A_178 : i32 to index
      %get3A_180 = arith.constant 0 : index
      %get3A_181 = vector.load %arg3[%get3A_179, %get3A_180] : memref<16384x128xf32, #tpu.memory_space<vmem>>, vector<8x128xf32>
      %lt3A = arith.cmpf olt, %get3A_181, %broadcast_in_dim3A_40 : vector<8x128xf32>
      %jit3A = arith.constant 1.000000e+00 : f32
      %jit3A_182 = arith.constant 0.000000e+00 : f32
      %broadcast_in_dim3A_183 = vector.broadcast %jit3A : f32 to vector<8x128xf32>
      %broadcast_in_dim3A_184 = vector.broadcast %jit3A_182 : f32 to vector<8x128xf32>
      %select_n3A = arith.select %lt3A, %broadcast_in_dim3A_183, %broadcast_in_dim3A_184 : vector<8x128xi1>, vector<8x128xf32>
      %add3A_185 = arith.addf %scan3A_175, %select_n3A : vector<8x128xf32>
      %lt3A_186 = arith.cmpf olt, %get3A_181, %broadcast_in_dim3A_43 : vector<8x128xf32>
      %jit3A_187 = arith.constant 1.000000e+00 : f32
      %jit3A_188 = arith.constant 0.000000e+00 : f32
      %broadcast_in_dim3A_189 = vector.broadcast %jit3A_187 : f32 to vector<8x128xf32>
      %broadcast_in_dim3A_190 = vector.broadcast %jit3A_188 : f32 to vector<8x128xf32>
      %select_n3A_191 = arith.select %lt3A_186, %broadcast_in_dim3A_189, %broadcast_in_dim3A_190 : vector<8x128xi1>, vector<8x128xf32>
      %add3A_192 = arith.addf %scan3A_176, %select_n3A_191 : vector<8x128xf32>
      %scan3A_193 = arith.constant 1 : i32
      %scan3A_194 = arith.addi %scan3A_174, %scan3A_193 : i32
      %mul3A_195 = arith.constant 8 : i32
      %mul3A_196 = arith.muli %scan3A_194, %mul3A_195 : i32
      %get3A_197 = arith.index_cast %mul3A_196 : i32 to index
      %get3A_198 = arith.constant 0 : index
      %get3A_199 = vector.load %arg3[%get3A_197, %get3A_198] : memref<16384x128xf32, #tpu.memory_space<vmem>>, vector<8x128xf32>
      %lt3A_200 = arith.cmpf olt, %get3A_199, %broadcast_in_dim3A_40 : vector<8x128xf32>
      %jit3A_201 = arith.constant 1.000000e+00 : f32
      %jit3A_202 = arith.constant 0.000000e+00 : f32
      %broadcast_in_dim3A_203 = vector.broadcast %jit3A_201 : f32 to vector<8x128xf32>
      %broadcast_in_dim3A_204 = vector.broadcast %jit3A_202 : f32 to vector<8x128xf32>
      %select_n3A_205 = arith.select %lt3A_200, %broadcast_in_dim3A_203, %broadcast_in_dim3A_204 : vector<8x128xi1>, vector<8x128xf32>
      %add3A_206 = arith.addf %add3A_185, %select_n3A_205 : vector<8x128xf32>
      %lt3A_207 = arith.cmpf olt, %get3A_199, %broadcast_in_dim3A_43 : vector<8x128xf32>
      %jit3A_208 = arith.constant 1.000000e+00 : f32
      %jit3A_209 = arith.constant 0.000000e+00 : f32
      %broadcast_in_dim3A_210 = vector.broadcast %jit3A_208 : f32 to vector<8x128xf32>
      %broadcast_in_dim3A_211 = vector.broadcast %jit3A_209 : f32 to vector<8x128xf32>
      %select_n3A_212 = arith.select %lt3A_207, %broadcast_in_dim3A_210, %broadcast_in_dim3A_211 : vector<8x128xi1>, vector<8x128xf32>
      %add3A_213 = arith.addf %add3A_192, %select_n3A_212 : vector<8x128xf32>
      %scan3A_214 = arith.constant 2 : i32
      %scan3A_215 = arith.addi %scan3A_174, %scan3A_214 : i32
      %mul3A_216 = arith.constant 8 : i32
      %mul3A_217 = arith.muli %scan3A_215, %mul3A_216 : i32
      %get3A_218 = arith.index_cast %mul3A_217 : i32 to index
      %get3A_219 = arith.constant 0 : index
      %get3A_220 = vector.load %arg3[%get3A_218, %get3A_219] : memref<16384x128xf32, #tpu.memory_space<vmem>>, vector<8x128xf32>
      %lt3A_221 = arith.cmpf olt, %get3A_220, %broadcast_in_dim3A_40 : vector<8x128xf32>
      %jit3A_222 = arith.constant 1.000000e+00 : f32
      %jit3A_223 = arith.constant 0.000000e+00 : f32
      %broadcast_in_dim3A_224 = vector.broadcast %jit3A_222 : f32 to vector<8x128xf32>
      %broadcast_in_dim3A_225 = vector.broadcast %jit3A_223 : f32 to vector<8x128xf32>
      %select_n3A_226 = arith.select %lt3A_221, %broadcast_in_dim3A_224, %broadcast_in_dim3A_225 : vector<8x128xi1>, vector<8x128xf32>
      %add3A_227 = arith.addf %add3A_206, %select_n3A_226 : vector<8x128xf32>
      %lt3A_228 = arith.cmpf olt, %get3A_220, %broadcast_in_dim3A_43 : vector<8x128xf32>
      %jit3A_229 = arith.constant 1.000000e+00 : f32
      %jit3A_230 = arith.constant 0.000000e+00 : f32
      %broadcast_in_dim3A_231 = vector.broadcast %jit3A_229 : f32 to vector<8x128xf32>
      %broadcast_in_dim3A_232 = vector.broadcast %jit3A_230 : f32 to vector<8x128xf32>
      %select_n3A_233 = arith.select %lt3A_228, %broadcast_in_dim3A_231, %broadcast_in_dim3A_232 : vector<8x128xi1>, vector<8x128xf32>
      %add3A_234 = arith.addf %add3A_213, %select_n3A_233 : vector<8x128xf32>
      %scan3A_235 = arith.constant 3 : i32
      %scan3A_236 = arith.addi %scan3A_174, %scan3A_235 : i32
      %mul3A_237 = arith.constant 8 : i32
      %mul3A_238 = arith.muli %scan3A_236, %mul3A_237 : i32
      %get3A_239 = arith.index_cast %mul3A_238 : i32 to index
      %get3A_240 = arith.constant 0 : index
      %get3A_241 = vector.load %arg3[%get3A_239, %get3A_240] : memref<16384x128xf32, #tpu.memory_space<vmem>>, vector<8x128xf32>
      %lt3A_242 = arith.cmpf olt, %get3A_241, %broadcast_in_dim3A_40 : vector<8x128xf32>
      %jit3A_243 = arith.constant 1.000000e+00 : f32
      %jit3A_244 = arith.constant 0.000000e+00 : f32
      %broadcast_in_dim3A_245 = vector.broadcast %jit3A_243 : f32 to vector<8x128xf32>
      %broadcast_in_dim3A_246 = vector.broadcast %jit3A_244 : f32 to vector<8x128xf32>
      %select_n3A_247 = arith.select %lt3A_242, %broadcast_in_dim3A_245, %broadcast_in_dim3A_246 : vector<8x128xi1>, vector<8x128xf32>
      %add3A_248 = arith.addf %add3A_227, %select_n3A_247 : vector<8x128xf32>
      %lt3A_249 = arith.cmpf olt, %get3A_241, %broadcast_in_dim3A_43 : vector<8x128xf32>
      %jit3A_250 = arith.constant 1.000000e+00 : f32
      %jit3A_251 = arith.constant 0.000000e+00 : f32
      %broadcast_in_dim3A_252 = vector.broadcast %jit3A_250 : f32 to vector<8x128xf32>
      %broadcast_in_dim3A_253 = vector.broadcast %jit3A_251 : f32 to vector<8x128xf32>
      %select_n3A_254 = arith.select %lt3A_249, %broadcast_in_dim3A_252, %broadcast_in_dim3A_253 : vector<8x128xi1>, vector<8x128xf32>
      %add3A_255 = arith.addf %add3A_234, %select_n3A_254 : vector<8x128xf32>
      %scan3A_256 = arith.constant 4 : i32
      %scan3A_257 = arith.addi %scan3A_174, %scan3A_256 : i32
      %mul3A_258 = arith.constant 8 : i32
      %mul3A_259 = arith.muli %scan3A_257, %mul3A_258 : i32
      %get3A_260 = arith.index_cast %mul3A_259 : i32 to index
      %get3A_261 = arith.constant 0 : index
      %get3A_262 = vector.load %arg3[%get3A_260, %get3A_261] : memref<16384x128xf32, #tpu.memory_space<vmem>>, vector<8x128xf32>
      %lt3A_263 = arith.cmpf olt, %get3A_262, %broadcast_in_dim3A_40 : vector<8x128xf32>
      %jit3A_264 = arith.constant 1.000000e+00 : f32
      %jit3A_265 = arith.constant 0.000000e+00 : f32
      %broadcast_in_dim3A_266 = vector.broadcast %jit3A_264 : f32 to vector<8x128xf32>
      %broadcast_in_dim3A_267 = vector.broadcast %jit3A_265 : f32 to vector<8x128xf32>
      %select_n3A_268 = arith.select %lt3A_263, %broadcast_in_dim3A_266, %broadcast_in_dim3A_267 : vector<8x128xi1>, vector<8x128xf32>
      %add3A_269 = arith.addf %add3A_248, %select_n3A_268 : vector<8x128xf32>
      %lt3A_270 = arith.cmpf olt, %get3A_262, %broadcast_in_dim3A_43 : vector<8x128xf32>
      %jit3A_271 = arith.constant 1.000000e+00 : f32
      %jit3A_272 = arith.constant 0.000000e+00 : f32
      %broadcast_in_dim3A_273 = vector.broadcast %jit3A_271 : f32 to vector<8x128xf32>
      %broadcast_in_dim3A_274 = vector.broadcast %jit3A_272 : f32 to vector<8x128xf32>
      %select_n3A_275 = arith.select %lt3A_270, %broadcast_in_dim3A_273, %broadcast_in_dim3A_274 : vector<8x128xi1>, vector<8x128xf32>
      %add3A_276 = arith.addf %add3A_255, %select_n3A_275 : vector<8x128xf32>
      %scan3A_277 = arith.constant 5 : i32
      %scan3A_278 = arith.addi %scan3A_174, %scan3A_277 : i32
      %mul3A_279 = arith.constant 8 : i32
      %mul3A_280 = arith.muli %scan3A_278, %mul3A_279 : i32
      %get3A_281 = arith.index_cast %mul3A_280 : i32 to index
      %get3A_282 = arith.constant 0 : index
      %get3A_283 = vector.load %arg3[%get3A_281, %get3A_282] : memref<16384x128xf32, #tpu.memory_space<vmem>>, vector<8x128xf32>
      %lt3A_284 = arith.cmpf olt, %get3A_283, %broadcast_in_dim3A_40 : vector<8x128xf32>
      %jit3A_285 = arith.constant 1.000000e+00 : f32
      %jit3A_286 = arith.constant 0.000000e+00 : f32
      %broadcast_in_dim3A_287 = vector.broadcast %jit3A_285 : f32 to vector<8x128xf32>
      %broadcast_in_dim3A_288 = vector.broadcast %jit3A_286 : f32 to vector<8x128xf32>
      %select_n3A_289 = arith.select %lt3A_284, %broadcast_in_dim3A_287, %broadcast_in_dim3A_288 : vector<8x128xi1>, vector<8x128xf32>
      %add3A_290 = arith.addf %add3A_269, %select_n3A_289 : vector<8x128xf32>
      %lt3A_291 = arith.cmpf olt, %get3A_283, %broadcast_in_dim3A_43 : vector<8x128xf32>
      %jit3A_292 = arith.constant 1.000000e+00 : f32
      %jit3A_293 = arith.constant 0.000000e+00 : f32
      %broadcast_in_dim3A_294 = vector.broadcast %jit3A_292 : f32 to vector<8x128xf32>
      %broadcast_in_dim3A_295 = vector.broadcast %jit3A_293 : f32 to vector<8x128xf32>
      %select_n3A_296 = arith.select %lt3A_291, %broadcast_in_dim3A_294, %broadcast_in_dim3A_295 : vector<8x128xi1>, vector<8x128xf32>
      %add3A_297 = arith.addf %add3A_276, %select_n3A_296 : vector<8x128xf32>
      %scan3A_298 = arith.constant 6 : i32
      %scan3A_299 = arith.addi %scan3A_174, %scan3A_298 : i32
      %mul3A_300 = arith.constant 8 : i32
      %mul3A_301 = arith.muli %scan3A_299, %mul3A_300 : i32
      %get3A_302 = arith.index_cast %mul3A_301 : i32 to index
      %get3A_303 = arith.constant 0 : index
      %get3A_304 = vector.load %arg3[%get3A_302, %get3A_303] : memref<16384x128xf32, #tpu.memory_space<vmem>>, vector<8x128xf32>
      %lt3A_305 = arith.cmpf olt, %get3A_304, %broadcast_in_dim3A_40 : vector<8x128xf32>
      %jit3A_306 = arith.constant 1.000000e+00 : f32
      %jit3A_307 = arith.constant 0.000000e+00 : f32
      %broadcast_in_dim3A_308 = vector.broadcast %jit3A_306 : f32 to vector<8x128xf32>
      %broadcast_in_dim3A_309 = vector.broadcast %jit3A_307 : f32 to vector<8x128xf32>
      %select_n3A_310 = arith.select %lt3A_305, %broadcast_in_dim3A_308, %broadcast_in_dim3A_309 : vector<8x128xi1>, vector<8x128xf32>
      %add3A_311 = arith.addf %add3A_290, %select_n3A_310 : vector<8x128xf32>
      %lt3A_312 = arith.cmpf olt, %get3A_304, %broadcast_in_dim3A_43 : vector<8x128xf32>
      %jit3A_313 = arith.constant 1.000000e+00 : f32
      %jit3A_314 = arith.constant 0.000000e+00 : f32
      %broadcast_in_dim3A_315 = vector.broadcast %jit3A_313 : f32 to vector<8x128xf32>
      %broadcast_in_dim3A_316 = vector.broadcast %jit3A_314 : f32 to vector<8x128xf32>
      %select_n3A_317 = arith.select %lt3A_312, %broadcast_in_dim3A_315, %broadcast_in_dim3A_316 : vector<8x128xi1>, vector<8x128xf32>
      %add3A_318 = arith.addf %add3A_297, %select_n3A_317 : vector<8x128xf32>
      %scan3A_319 = arith.constant 7 : i32
      %scan3A_320 = arith.addi %scan3A_174, %scan3A_319 : i32
      %mul3A_321 = arith.constant 8 : i32
      %mul3A_322 = arith.muli %scan3A_320, %mul3A_321 : i32
      %get3A_323 = arith.index_cast %mul3A_322 : i32 to index
      %get3A_324 = arith.constant 0 : index
      %get3A_325 = vector.load %arg3[%get3A_323, %get3A_324] : memref<16384x128xf32, #tpu.memory_space<vmem>>, vector<8x128xf32>
      %lt3A_326 = arith.cmpf olt, %get3A_325, %broadcast_in_dim3A_40 : vector<8x128xf32>
      %jit3A_327 = arith.constant 1.000000e+00 : f32
      %jit3A_328 = arith.constant 0.000000e+00 : f32
      %broadcast_in_dim3A_329 = vector.broadcast %jit3A_327 : f32 to vector<8x128xf32>
      %broadcast_in_dim3A_330 = vector.broadcast %jit3A_328 : f32 to vector<8x128xf32>
      %select_n3A_331 = arith.select %lt3A_326, %broadcast_in_dim3A_329, %broadcast_in_dim3A_330 : vector<8x128xi1>, vector<8x128xf32>
      %add3A_332 = arith.addf %add3A_311, %select_n3A_331 : vector<8x128xf32>
      %lt3A_333 = arith.cmpf olt, %get3A_325, %broadcast_in_dim3A_43 : vector<8x128xf32>
      %jit3A_334 = arith.constant 1.000000e+00 : f32
      %jit3A_335 = arith.constant 0.000000e+00 : f32
      %broadcast_in_dim3A_336 = vector.broadcast %jit3A_334 : f32 to vector<8x128xf32>
      %broadcast_in_dim3A_337 = vector.broadcast %jit3A_335 : f32 to vector<8x128xf32>
      %select_n3A_338 = arith.select %lt3A_333, %broadcast_in_dim3A_336, %broadcast_in_dim3A_337 : vector<8x128xi1>, vector<8x128xf32>
      %add3A_339 = arith.addf %add3A_318, %select_n3A_338 : vector<8x128xf32>
      scf.yield %add3A_332, %add3A_339 : vector<8x128xf32>, vector<8x128xf32>
    }
    %scan3A_53 = arith.constant 2048 : i32
    %reduce_sum3A_54 = arith.constant dense<0.000000e+00> : vector<128xf32>
    %reduce_sum3A_55 = vector.multi_reduction <add>, %scan3A_52#0, %reduce_sum3A_54 [0] : vector<8x128xf32> to vector<128xf32>
    %broadcast_in_dim3A_56 = vector.shape_cast %reduce_sum3A_55 : vector<128xf32> to vector<1x128xf32>
    %reduce_sum3A_57 = arith.constant dense<0.000000e+00> : vector<128xf32>
    %reduce_sum3A_58 = vector.multi_reduction <add>, %scan3A_52#1, %reduce_sum3A_57 [0] : vector<8x128xf32> to vector<128xf32>
    %broadcast_in_dim3A_59 = vector.shape_cast %reduce_sum3A_58 : vector<128xf32> to vector<1x128xf32>
    %slice3A_60 = vector.extract_strided_slice %get3A_4 {offsets = [2, 0], sizes = [1, 128], strides = [1, 1]} : vector<8x128xf32> to vector<1x128xf32>
    %mul3A_61 = arith.mulf %slice3A_60, %broadcast_in_dim3A_56 : vector<1x128xf32>
    %reduce_sum3A_62 = vector.shape_cast %mul3A_61 : vector<1x128xf32> to vector<1x1x128xf32>
    %reduce_sum3A_63 = arith.constant dense<0.000000e+00> : vector<1xf32>
    %reduce_sum3A_64 = vector.multi_reduction <add>, %reduce_sum3A_62, %reduce_sum3A_63 [1, 2] : vector<1x1x128xf32> to vector<1xf32>
    %reduce_sum3A_65 = vector.shape_cast %reduce_sum3A_64 : vector<1xf32> to vector<1x1x1xf32>
    %reduce_sum3A_66 = vector.extract %reduce_sum3A_65[0, 0, 0] : f32 from vector<1x1x1xf32>
    %add3A_67 = arith.addf %add3A_37, %reduce_sum3A_66 : f32
    %slice3A_68 = vector.extract_strided_slice %get3A_4 {offsets = [3, 0], sizes = [1, 128], strides = [1, 1]} : vector<8x128xf32> to vector<1x128xf32>
    %mul3A_69 = arith.mulf %slice3A_68, %broadcast_in_dim3A_59 : vector<1x128xf32>
    %reduce_sum3A_70 = vector.shape_cast %mul3A_69 : vector<1x128xf32> to vector<1x1x128xf32>
    %reduce_sum3A_71 = arith.constant dense<0.000000e+00> : vector<1xf32>
    %reduce_sum3A_72 = vector.multi_reduction <add>, %reduce_sum3A_70, %reduce_sum3A_71 [1, 2] : vector<1x1x128xf32> to vector<1xf32>
    %reduce_sum3A_73 = vector.shape_cast %reduce_sum3A_72 : vector<1xf32> to vector<1x1x1xf32>
    %reduce_sum3A_74 = vector.extract %reduce_sum3A_73[0, 0, 0] : f32 from vector<1x1x1xf32>
    %add3A_75 = arith.addf %add3A_67, %reduce_sum3A_74 : f32
    %slice3A_76 = vector.extract_strided_slice %get3A_1 {offsets = [4, 0], sizes = [1, 128], strides = [1, 1]} : vector<8x128xf32> to vector<1x128xf32>
    %broadcast_in_dim3A_77 = vector.shape_cast %slice3A_76 : vector<1x128xf32> to vector<1x128xf32>
    %broadcast_in_dim3A_78 = vector.broadcast %broadcast_in_dim3A_77 : vector<1x128xf32> to vector<8x128xf32>
    %slice3A_79 = vector.extract_strided_slice %get3A_1 {offsets = [5, 0], sizes = [1, 128], strides = [1, 1]} : vector<8x128xf32> to vector<1x128xf32>
    %broadcast_in_dim3A_80 = vector.shape_cast %slice3A_79 : vector<1x128xf32> to vector<1x128xf32>
    %broadcast_in_dim3A_81 = vector.broadcast %broadcast_in_dim3A_80 : vector<1x128xf32> to vector<8x128xf32>
    %broadcast_in_dim3A_82 = arith.constant 0.000000e+00 : f32
    %broadcast_in_dim3A_83 = vector.broadcast %broadcast_in_dim3A_82 : f32 to vector<8x128xf32>
    %broadcast_in_dim3A_84 = arith.constant 0.000000e+00 : f32
    %broadcast_in_dim3A_85 = vector.broadcast %broadcast_in_dim3A_84 : f32 to vector<8x128xf32>
    %scan3A_86 = arith.constant 0 : i32
    %scan3A_87 = arith.constant 2048 : i32
    %scan3A_88 = arith.addi %scan3A_86, %scan3A_87 : i32
    %scan3A_89 = arith.constant 8 : i32
    %scan3A_90:2 = scf.for %scan3A_174 = %scan3A_86 to %scan3A_88 step %scan3A_89 iter_args(%scan3A_175 = %broadcast_in_dim3A_83, %scan3A_176 = %broadcast_in_dim3A_85) -> (vector<8x128xf32>, vector<8x128xf32>)  : i32 {
      %mul3A_177 = arith.constant 8 : i32
      %mul3A_178 = arith.muli %scan3A_174, %mul3A_177 : i32
      %get3A_179 = arith.index_cast %mul3A_178 : i32 to index
      %get3A_180 = arith.constant 0 : index
      %get3A_181 = vector.load %arg3[%get3A_179, %get3A_180] : memref<16384x128xf32, #tpu.memory_space<vmem>>, vector<8x128xf32>
      %lt3A = arith.cmpf olt, %get3A_181, %broadcast_in_dim3A_78 : vector<8x128xf32>
      %jit3A = arith.constant 1.000000e+00 : f32
      %jit3A_182 = arith.constant 0.000000e+00 : f32
      %broadcast_in_dim3A_183 = vector.broadcast %jit3A : f32 to vector<8x128xf32>
      %broadcast_in_dim3A_184 = vector.broadcast %jit3A_182 : f32 to vector<8x128xf32>
      %select_n3A = arith.select %lt3A, %broadcast_in_dim3A_183, %broadcast_in_dim3A_184 : vector<8x128xi1>, vector<8x128xf32>
      %add3A_185 = arith.addf %scan3A_175, %select_n3A : vector<8x128xf32>
      %lt3A_186 = arith.cmpf olt, %get3A_181, %broadcast_in_dim3A_81 : vector<8x128xf32>
      %jit3A_187 = arith.constant 1.000000e+00 : f32
      %jit3A_188 = arith.constant 0.000000e+00 : f32
      %broadcast_in_dim3A_189 = vector.broadcast %jit3A_187 : f32 to vector<8x128xf32>
      %broadcast_in_dim3A_190 = vector.broadcast %jit3A_188 : f32 to vector<8x128xf32>
      %select_n3A_191 = arith.select %lt3A_186, %broadcast_in_dim3A_189, %broadcast_in_dim3A_190 : vector<8x128xi1>, vector<8x128xf32>
      %add3A_192 = arith.addf %scan3A_176, %select_n3A_191 : vector<8x128xf32>
      %scan3A_193 = arith.constant 1 : i32
      %scan3A_194 = arith.addi %scan3A_174, %scan3A_193 : i32
      %mul3A_195 = arith.constant 8 : i32
      %mul3A_196 = arith.muli %scan3A_194, %mul3A_195 : i32
      %get3A_197 = arith.index_cast %mul3A_196 : i32 to index
      %get3A_198 = arith.constant 0 : index
      %get3A_199 = vector.load %arg3[%get3A_197, %get3A_198] : memref<16384x128xf32, #tpu.memory_space<vmem>>, vector<8x128xf32>
      %lt3A_200 = arith.cmpf olt, %get3A_199, %broadcast_in_dim3A_78 : vector<8x128xf32>
      %jit3A_201 = arith.constant 1.000000e+00 : f32
      %jit3A_202 = arith.constant 0.000000e+00 : f32
      %broadcast_in_dim3A_203 = vector.broadcast %jit3A_201 : f32 to vector<8x128xf32>
      %broadcast_in_dim3A_204 = vector.broadcast %jit3A_202 : f32 to vector<8x128xf32>
      %select_n3A_205 = arith.select %lt3A_200, %broadcast_in_dim3A_203, %broadcast_in_dim3A_204 : vector<8x128xi1>, vector<8x128xf32>
      %add3A_206 = arith.addf %add3A_185, %select_n3A_205 : vector<8x128xf32>
      %lt3A_207 = arith.cmpf olt, %get3A_199, %broadcast_in_dim3A_81 : vector<8x128xf32>
      %jit3A_208 = arith.constant 1.000000e+00 : f32
      %jit3A_209 = arith.constant 0.000000e+00 : f32
      %broadcast_in_dim3A_210 = vector.broadcast %jit3A_208 : f32 to vector<8x128xf32>
      %broadcast_in_dim3A_211 = vector.broadcast %jit3A_209 : f32 to vector<8x128xf32>
      %select_n3A_212 = arith.select %lt3A_207, %broadcast_in_dim3A_210, %broadcast_in_dim3A_211 : vector<8x128xi1>, vector<8x128xf32>
      %add3A_213 = arith.addf %add3A_192, %select_n3A_212 : vector<8x128xf32>
      %scan3A_214 = arith.constant 2 : i32
      %scan3A_215 = arith.addi %scan3A_174, %scan3A_214 : i32
      %mul3A_216 = arith.constant 8 : i32
      %mul3A_217 = arith.muli %scan3A_215, %mul3A_216 : i32
      %get3A_218 = arith.index_cast %mul3A_217 : i32 to index
      %get3A_219 = arith.constant 0 : index
      %get3A_220 = vector.load %arg3[%get3A_218, %get3A_219] : memref<16384x128xf32, #tpu.memory_space<vmem>>, vector<8x128xf32>
      %lt3A_221 = arith.cmpf olt, %get3A_220, %broadcast_in_dim3A_78 : vector<8x128xf32>
      %jit3A_222 = arith.constant 1.000000e+00 : f32
      %jit3A_223 = arith.constant 0.000000e+00 : f32
      %broadcast_in_dim3A_224 = vector.broadcast %jit3A_222 : f32 to vector<8x128xf32>
      %broadcast_in_dim3A_225 = vector.broadcast %jit3A_223 : f32 to vector<8x128xf32>
      %select_n3A_226 = arith.select %lt3A_221, %broadcast_in_dim3A_224, %broadcast_in_dim3A_225 : vector<8x128xi1>, vector<8x128xf32>
      %add3A_227 = arith.addf %add3A_206, %select_n3A_226 : vector<8x128xf32>
      %lt3A_228 = arith.cmpf olt, %get3A_220, %broadcast_in_dim3A_81 : vector<8x128xf32>
      %jit3A_229 = arith.constant 1.000000e+00 : f32
      %jit3A_230 = arith.constant 0.000000e+00 : f32
      %broadcast_in_dim3A_231 = vector.broadcast %jit3A_229 : f32 to vector<8x128xf32>
      %broadcast_in_dim3A_232 = vector.broadcast %jit3A_230 : f32 to vector<8x128xf32>
      %select_n3A_233 = arith.select %lt3A_228, %broadcast_in_dim3A_231, %broadcast_in_dim3A_232 : vector<8x128xi1>, vector<8x128xf32>
      %add3A_234 = arith.addf %add3A_213, %select_n3A_233 : vector<8x128xf32>
      %scan3A_235 = arith.constant 3 : i32
      %scan3A_236 = arith.addi %scan3A_174, %scan3A_235 : i32
      %mul3A_237 = arith.constant 8 : i32
      %mul3A_238 = arith.muli %scan3A_236, %mul3A_237 : i32
      %get3A_239 = arith.index_cast %mul3A_238 : i32 to index
      %get3A_240 = arith.constant 0 : index
      %get3A_241 = vector.load %arg3[%get3A_239, %get3A_240] : memref<16384x128xf32, #tpu.memory_space<vmem>>, vector<8x128xf32>
      %lt3A_242 = arith.cmpf olt, %get3A_241, %broadcast_in_dim3A_78 : vector<8x128xf32>
      %jit3A_243 = arith.constant 1.000000e+00 : f32
      %jit3A_244 = arith.constant 0.000000e+00 : f32
      %broadcast_in_dim3A_245 = vector.broadcast %jit3A_243 : f32 to vector<8x128xf32>
      %broadcast_in_dim3A_246 = vector.broadcast %jit3A_244 : f32 to vector<8x128xf32>
      %select_n3A_247 = arith.select %lt3A_242, %broadcast_in_dim3A_245, %broadcast_in_dim3A_246 : vector<8x128xi1>, vector<8x128xf32>
      %add3A_248 = arith.addf %add3A_227, %select_n3A_247 : vector<8x128xf32>
      %lt3A_249 = arith.cmpf olt, %get3A_241, %broadcast_in_dim3A_81 : vector<8x128xf32>
      %jit3A_250 = arith.constant 1.000000e+00 : f32
      %jit3A_251 = arith.constant 0.000000e+00 : f32
      %broadcast_in_dim3A_252 = vector.broadcast %jit3A_250 : f32 to vector<8x128xf32>
      %broadcast_in_dim3A_253 = vector.broadcast %jit3A_251 : f32 to vector<8x128xf32>
      %select_n3A_254 = arith.select %lt3A_249, %broadcast_in_dim3A_252, %broadcast_in_dim3A_253 : vector<8x128xi1>, vector<8x128xf32>
      %add3A_255 = arith.addf %add3A_234, %select_n3A_254 : vector<8x128xf32>
      %scan3A_256 = arith.constant 4 : i32
      %scan3A_257 = arith.addi %scan3A_174, %scan3A_256 : i32
      %mul3A_258 = arith.constant 8 : i32
      %mul3A_259 = arith.muli %scan3A_257, %mul3A_258 : i32
      %get3A_260 = arith.index_cast %mul3A_259 : i32 to index
      %get3A_261 = arith.constant 0 : index
      %get3A_262 = vector.load %arg3[%get3A_260, %get3A_261] : memref<16384x128xf32, #tpu.memory_space<vmem>>, vector<8x128xf32>
      %lt3A_263 = arith.cmpf olt, %get3A_262, %broadcast_in_dim3A_78 : vector<8x128xf32>
      %jit3A_264 = arith.constant 1.000000e+00 : f32
      %jit3A_265 = arith.constant 0.000000e+00 : f32
      %broadcast_in_dim3A_266 = vector.broadcast %jit3A_264 : f32 to vector<8x128xf32>
      %broadcast_in_dim3A_267 = vector.broadcast %jit3A_265 : f32 to vector<8x128xf32>
      %select_n3A_268 = arith.select %lt3A_263, %broadcast_in_dim3A_266, %broadcast_in_dim3A_267 : vector<8x128xi1>, vector<8x128xf32>
      %add3A_269 = arith.addf %add3A_248, %select_n3A_268 : vector<8x128xf32>
      %lt3A_270 = arith.cmpf olt, %get3A_262, %broadcast_in_dim3A_81 : vector<8x128xf32>
      %jit3A_271 = arith.constant 1.000000e+00 : f32
      %jit3A_272 = arith.constant 0.000000e+00 : f32
      %broadcast_in_dim3A_273 = vector.broadcast %jit3A_271 : f32 to vector<8x128xf32>
      %broadcast_in_dim3A_274 = vector.broadcast %jit3A_272 : f32 to vector<8x128xf32>
      %select_n3A_275 = arith.select %lt3A_270, %broadcast_in_dim3A_273, %broadcast_in_dim3A_274 : vector<8x128xi1>, vector<8x128xf32>
      %add3A_276 = arith.addf %add3A_255, %select_n3A_275 : vector<8x128xf32>
      %scan3A_277 = arith.constant 5 : i32
      %scan3A_278 = arith.addi %scan3A_174, %scan3A_277 : i32
      %mul3A_279 = arith.constant 8 : i32
      %mul3A_280 = arith.muli %scan3A_278, %mul3A_279 : i32
      %get3A_281 = arith.index_cast %mul3A_280 : i32 to index
      %get3A_282 = arith.constant 0 : index
      %get3A_283 = vector.load %arg3[%get3A_281, %get3A_282] : memref<16384x128xf32, #tpu.memory_space<vmem>>, vector<8x128xf32>
      %lt3A_284 = arith.cmpf olt, %get3A_283, %broadcast_in_dim3A_78 : vector<8x128xf32>
      %jit3A_285 = arith.constant 1.000000e+00 : f32
      %jit3A_286 = arith.constant 0.000000e+00 : f32
      %broadcast_in_dim3A_287 = vector.broadcast %jit3A_285 : f32 to vector<8x128xf32>
      %broadcast_in_dim3A_288 = vector.broadcast %jit3A_286 : f32 to vector<8x128xf32>
      %select_n3A_289 = arith.select %lt3A_284, %broadcast_in_dim3A_287, %broadcast_in_dim3A_288 : vector<8x128xi1>, vector<8x128xf32>
      %add3A_290 = arith.addf %add3A_269, %select_n3A_289 : vector<8x128xf32>
      %lt3A_291 = arith.cmpf olt, %get3A_283, %broadcast_in_dim3A_81 : vector<8x128xf32>
      %jit3A_292 = arith.constant 1.000000e+00 : f32
      %jit3A_293 = arith.constant 0.000000e+00 : f32
      %broadcast_in_dim3A_294 = vector.broadcast %jit3A_292 : f32 to vector<8x128xf32>
      %broadcast_in_dim3A_295 = vector.broadcast %jit3A_293 : f32 to vector<8x128xf32>
      %select_n3A_296 = arith.select %lt3A_291, %broadcast_in_dim3A_294, %broadcast_in_dim3A_295 : vector<8x128xi1>, vector<8x128xf32>
      %add3A_297 = arith.addf %add3A_276, %select_n3A_296 : vector<8x128xf32>
      %scan3A_298 = arith.constant 6 : i32
      %scan3A_299 = arith.addi %scan3A_174, %scan3A_298 : i32
      %mul3A_300 = arith.constant 8 : i32
      %mul3A_301 = arith.muli %scan3A_299, %mul3A_300 : i32
      %get3A_302 = arith.index_cast %mul3A_301 : i32 to index
      %get3A_303 = arith.constant 0 : index
      %get3A_304 = vector.load %arg3[%get3A_302, %get3A_303] : memref<16384x128xf32, #tpu.memory_space<vmem>>, vector<8x128xf32>
      %lt3A_305 = arith.cmpf olt, %get3A_304, %broadcast_in_dim3A_78 : vector<8x128xf32>
      %jit3A_306 = arith.constant 1.000000e+00 : f32
      %jit3A_307 = arith.constant 0.000000e+00 : f32
      %broadcast_in_dim3A_308 = vector.broadcast %jit3A_306 : f32 to vector<8x128xf32>
      %broadcast_in_dim3A_309 = vector.broadcast %jit3A_307 : f32 to vector<8x128xf32>
      %select_n3A_310 = arith.select %lt3A_305, %broadcast_in_dim3A_308, %broadcast_in_dim3A_309 : vector<8x128xi1>, vector<8x128xf32>
      %add3A_311 = arith.addf %add3A_290, %select_n3A_310 : vector<8x128xf32>
      %lt3A_312 = arith.cmpf olt, %get3A_304, %broadcast_in_dim3A_81 : vector<8x128xf32>
      %jit3A_313 = arith.constant 1.000000e+00 : f32
      %jit3A_314 = arith.constant 0.000000e+00 : f32
      %broadcast_in_dim3A_315 = vector.broadcast %jit3A_313 : f32 to vector<8x128xf32>
      %broadcast_in_dim3A_316 = vector.broadcast %jit3A_314 : f32 to vector<8x128xf32>
      %select_n3A_317 = arith.select %lt3A_312, %broadcast_in_dim3A_315, %broadcast_in_dim3A_316 : vector<8x128xi1>, vector<8x128xf32>
      %add3A_318 = arith.addf %add3A_297, %select_n3A_317 : vector<8x128xf32>
      %scan3A_319 = arith.constant 7 : i32
      %scan3A_320 = arith.addi %scan3A_174, %scan3A_319 : i32
      %mul3A_321 = arith.constant 8 : i32
      %mul3A_322 = arith.muli %scan3A_320, %mul3A_321 : i32
      %get3A_323 = arith.index_cast %mul3A_322 : i32 to index
      %get3A_324 = arith.constant 0 : index
      %get3A_325 = vector.load %arg3[%get3A_323, %get3A_324] : memref<16384x128xf32, #tpu.memory_space<vmem>>, vector<8x128xf32>
      %lt3A_326 = arith.cmpf olt, %get3A_325, %broadcast_in_dim3A_78 : vector<8x128xf32>
      %jit3A_327 = arith.constant 1.000000e+00 : f32
      %jit3A_328 = arith.constant 0.000000e+00 : f32
      %broadcast_in_dim3A_329 = vector.broadcast %jit3A_327 : f32 to vector<8x128xf32>
      %broadcast_in_dim3A_330 = vector.broadcast %jit3A_328 : f32 to vector<8x128xf32>
      %select_n3A_331 = arith.select %lt3A_326, %broadcast_in_dim3A_329, %broadcast_in_dim3A_330 : vector<8x128xi1>, vector<8x128xf32>
      %add3A_332 = arith.addf %add3A_311, %select_n3A_331 : vector<8x128xf32>
      %lt3A_333 = arith.cmpf olt, %get3A_325, %broadcast_in_dim3A_81 : vector<8x128xf32>
      %jit3A_334 = arith.constant 1.000000e+00 : f32
      %jit3A_335 = arith.constant 0.000000e+00 : f32
      %broadcast_in_dim3A_336 = vector.broadcast %jit3A_334 : f32 to vector<8x128xf32>
      %broadcast_in_dim3A_337 = vector.broadcast %jit3A_335 : f32 to vector<8x128xf32>
      %select_n3A_338 = arith.select %lt3A_333, %broadcast_in_dim3A_336, %broadcast_in_dim3A_337 : vector<8x128xi1>, vector<8x128xf32>
      %add3A_339 = arith.addf %add3A_318, %select_n3A_338 : vector<8x128xf32>
      scf.yield %add3A_332, %add3A_339 : vector<8x128xf32>, vector<8x128xf32>
    }
    %scan3A_91 = arith.constant 2048 : i32
    %reduce_sum3A_92 = arith.constant dense<0.000000e+00> : vector<128xf32>
    %reduce_sum3A_93 = vector.multi_reduction <add>, %scan3A_90#0, %reduce_sum3A_92 [0] : vector<8x128xf32> to vector<128xf32>
    %broadcast_in_dim3A_94 = vector.shape_cast %reduce_sum3A_93 : vector<128xf32> to vector<1x128xf32>
    %reduce_sum3A_95 = arith.constant dense<0.000000e+00> : vector<128xf32>
    %reduce_sum3A_96 = vector.multi_reduction <add>, %scan3A_90#1, %reduce_sum3A_95 [0] : vector<8x128xf32> to vector<128xf32>
    %broadcast_in_dim3A_97 = vector.shape_cast %reduce_sum3A_96 : vector<128xf32> to vector<1x128xf32>
    %slice3A_98 = vector.extract_strided_slice %get3A_4 {offsets = [4, 0], sizes = [1, 128], strides = [1, 1]} : vector<8x128xf32> to vector<1x128xf32>
    %mul3A_99 = arith.mulf %slice3A_98, %broadcast_in_dim3A_94 : vector<1x128xf32>
    %reduce_sum3A_100 = vector.shape_cast %mul3A_99 : vector<1x128xf32> to vector<1x1x128xf32>
    %reduce_sum3A_101 = arith.constant dense<0.000000e+00> : vector<1xf32>
    %reduce_sum3A_102 = vector.multi_reduction <add>, %reduce_sum3A_100, %reduce_sum3A_101 [1, 2] : vector<1x1x128xf32> to vector<1xf32>
    %reduce_sum3A_103 = vector.shape_cast %reduce_sum3A_102 : vector<1xf32> to vector<1x1x1xf32>
    %reduce_sum3A_104 = vector.extract %reduce_sum3A_103[0, 0, 0] : f32 from vector<1x1x1xf32>
    %add3A_105 = arith.addf %add3A_75, %reduce_sum3A_104 : f32
    %slice3A_106 = vector.extract_strided_slice %get3A_4 {offsets = [5, 0], sizes = [1, 128], strides = [1, 1]} : vector<8x128xf32> to vector<1x128xf32>
    %mul3A_107 = arith.mulf %slice3A_106, %broadcast_in_dim3A_97 : vector<1x128xf32>
    %reduce_sum3A_108 = vector.shape_cast %mul3A_107 : vector<1x128xf32> to vector<1x1x128xf32>
    %reduce_sum3A_109 = arith.constant dense<0.000000e+00> : vector<1xf32>
    %reduce_sum3A_110 = vector.multi_reduction <add>, %reduce_sum3A_108, %reduce_sum3A_109 [1, 2] : vector<1x1x128xf32> to vector<1xf32>
    %reduce_sum3A_111 = vector.shape_cast %reduce_sum3A_110 : vector<1xf32> to vector<1x1x1xf32>
    %reduce_sum3A_112 = vector.extract %reduce_sum3A_111[0, 0, 0] : f32 from vector<1x1x1xf32>
    %add3A_113 = arith.addf %add3A_105, %reduce_sum3A_112 : f32
    %slice3A_114 = vector.extract_strided_slice %get3A_1 {offsets = [6, 0], sizes = [1, 128], strides = [1, 1]} : vector<8x128xf32> to vector<1x128xf32>
    %broadcast_in_dim3A_115 = vector.shape_cast %slice3A_114 : vector<1x128xf32> to vector<1x128xf32>
    %broadcast_in_dim3A_116 = vector.broadcast %broadcast_in_dim3A_115 : vector<1x128xf32> to vector<8x128xf32>
    %slice3A_117 = vector.extract_strided_slice %get3A_1 {offsets = [7, 0], sizes = [1, 128], strides = [1, 1]} : vector<8x128xf32> to vector<1x128xf32>
    %broadcast_in_dim3A_118 = vector.shape_cast %slice3A_117 : vector<1x128xf32> to vector<1x128xf32>
    %broadcast_in_dim3A_119 = vector.broadcast %broadcast_in_dim3A_118 : vector<1x128xf32> to vector<8x128xf32>
    %broadcast_in_dim3A_120 = arith.constant 0.000000e+00 : f32
    %broadcast_in_dim3A_121 = vector.broadcast %broadcast_in_dim3A_120 : f32 to vector<8x128xf32>
    %broadcast_in_dim3A_122 = arith.constant 0.000000e+00 : f32
    %broadcast_in_dim3A_123 = vector.broadcast %broadcast_in_dim3A_122 : f32 to vector<8x128xf32>
    %scan3A_124 = arith.constant 0 : i32
    %scan3A_125 = arith.constant 2048 : i32
    %scan3A_126 = arith.addi %scan3A_124, %scan3A_125 : i32
    %scan3A_127 = arith.constant 8 : i32
    %scan3A_128:2 = scf.for %scan3A_174 = %scan3A_124 to %scan3A_126 step %scan3A_127 iter_args(%scan3A_175 = %broadcast_in_dim3A_121, %scan3A_176 = %broadcast_in_dim3A_123) -> (vector<8x128xf32>, vector<8x128xf32>)  : i32 {
      %mul3A_177 = arith.constant 8 : i32
      %mul3A_178 = arith.muli %scan3A_174, %mul3A_177 : i32
      %get3A_179 = arith.index_cast %mul3A_178 : i32 to index
      %get3A_180 = arith.constant 0 : index
      %get3A_181 = vector.load %arg3[%get3A_179, %get3A_180] : memref<16384x128xf32, #tpu.memory_space<vmem>>, vector<8x128xf32>
      %lt3A = arith.cmpf olt, %get3A_181, %broadcast_in_dim3A_116 : vector<8x128xf32>
      %jit3A = arith.constant 1.000000e+00 : f32
      %jit3A_182 = arith.constant 0.000000e+00 : f32
      %broadcast_in_dim3A_183 = vector.broadcast %jit3A : f32 to vector<8x128xf32>
      %broadcast_in_dim3A_184 = vector.broadcast %jit3A_182 : f32 to vector<8x128xf32>
      %select_n3A = arith.select %lt3A, %broadcast_in_dim3A_183, %broadcast_in_dim3A_184 : vector<8x128xi1>, vector<8x128xf32>
      %add3A_185 = arith.addf %scan3A_175, %select_n3A : vector<8x128xf32>
      %lt3A_186 = arith.cmpf olt, %get3A_181, %broadcast_in_dim3A_119 : vector<8x128xf32>
      %jit3A_187 = arith.constant 1.000000e+00 : f32
      %jit3A_188 = arith.constant 0.000000e+00 : f32
      %broadcast_in_dim3A_189 = vector.broadcast %jit3A_187 : f32 to vector<8x128xf32>
      %broadcast_in_dim3A_190 = vector.broadcast %jit3A_188 : f32 to vector<8x128xf32>
      %select_n3A_191 = arith.select %lt3A_186, %broadcast_in_dim3A_189, %broadcast_in_dim3A_190 : vector<8x128xi1>, vector<8x128xf32>
      %add3A_192 = arith.addf %scan3A_176, %select_n3A_191 : vector<8x128xf32>
      %scan3A_193 = arith.constant 1 : i32
      %scan3A_194 = arith.addi %scan3A_174, %scan3A_193 : i32
      %mul3A_195 = arith.constant 8 : i32
      %mul3A_196 = arith.muli %scan3A_194, %mul3A_195 : i32
      %get3A_197 = arith.index_cast %mul3A_196 : i32 to index
      %get3A_198 = arith.constant 0 : index
      %get3A_199 = vector.load %arg3[%get3A_197, %get3A_198] : memref<16384x128xf32, #tpu.memory_space<vmem>>, vector<8x128xf32>
      %lt3A_200 = arith.cmpf olt, %get3A_199, %broadcast_in_dim3A_116 : vector<8x128xf32>
      %jit3A_201 = arith.constant 1.000000e+00 : f32
      %jit3A_202 = arith.constant 0.000000e+00 : f32
      %broadcast_in_dim3A_203 = vector.broadcast %jit3A_201 : f32 to vector<8x128xf32>
      %broadcast_in_dim3A_204 = vector.broadcast %jit3A_202 : f32 to vector<8x128xf32>
      %select_n3A_205 = arith.select %lt3A_200, %broadcast_in_dim3A_203, %broadcast_in_dim3A_204 : vector<8x128xi1>, vector<8x128xf32>
      %add3A_206 = arith.addf %add3A_185, %select_n3A_205 : vector<8x128xf32>
      %lt3A_207 = arith.cmpf olt, %get3A_199, %broadcast_in_dim3A_119 : vector<8x128xf32>
      %jit3A_208 = arith.constant 1.000000e+00 : f32
      %jit3A_209 = arith.constant 0.000000e+00 : f32
      %broadcast_in_dim3A_210 = vector.broadcast %jit3A_208 : f32 to vector<8x128xf32>
      %broadcast_in_dim3A_211 = vector.broadcast %jit3A_209 : f32 to vector<8x128xf32>
      %select_n3A_212 = arith.select %lt3A_207, %broadcast_in_dim3A_210, %broadcast_in_dim3A_211 : vector<8x128xi1>, vector<8x128xf32>
      %add3A_213 = arith.addf %add3A_192, %select_n3A_212 : vector<8x128xf32>
      %scan3A_214 = arith.constant 2 : i32
      %scan3A_215 = arith.addi %scan3A_174, %scan3A_214 : i32
      %mul3A_216 = arith.constant 8 : i32
      %mul3A_217 = arith.muli %scan3A_215, %mul3A_216 : i32
      %get3A_218 = arith.index_cast %mul3A_217 : i32 to index
      %get3A_219 = arith.constant 0 : index
      %get3A_220 = vector.load %arg3[%get3A_218, %get3A_219] : memref<16384x128xf32, #tpu.memory_space<vmem>>, vector<8x128xf32>
      %lt3A_221 = arith.cmpf olt, %get3A_220, %broadcast_in_dim3A_116 : vector<8x128xf32>
      %jit3A_222 = arith.constant 1.000000e+00 : f32
      %jit3A_223 = arith.constant 0.000000e+00 : f32
      %broadcast_in_dim3A_224 = vector.broadcast %jit3A_222 : f32 to vector<8x128xf32>
      %broadcast_in_dim3A_225 = vector.broadcast %jit3A_223 : f32 to vector<8x128xf32>
      %select_n3A_226 = arith.select %lt3A_221, %broadcast_in_dim3A_224, %broadcast_in_dim3A_225 : vector<8x128xi1>, vector<8x128xf32>
      %add3A_227 = arith.addf %add3A_206, %select_n3A_226 : vector<8x128xf32>
      %lt3A_228 = arith.cmpf olt, %get3A_220, %broadcast_in_dim3A_119 : vector<8x128xf32>
      %jit3A_229 = arith.constant 1.000000e+00 : f32
      %jit3A_230 = arith.constant 0.000000e+00 : f32
      %broadcast_in_dim3A_231 = vector.broadcast %jit3A_229 : f32 to vector<8x128xf32>
      %broadcast_in_dim3A_232 = vector.broadcast %jit3A_230 : f32 to vector<8x128xf32>
      %select_n3A_233 = arith.select %lt3A_228, %broadcast_in_dim3A_231, %broadcast_in_dim3A_232 : vector<8x128xi1>, vector<8x128xf32>
      %add3A_234 = arith.addf %add3A_213, %select_n3A_233 : vector<8x128xf32>
      %scan3A_235 = arith.constant 3 : i32
      %scan3A_236 = arith.addi %scan3A_174, %scan3A_235 : i32
      %mul3A_237 = arith.constant 8 : i32
      %mul3A_238 = arith.muli %scan3A_236, %mul3A_237 : i32
      %get3A_239 = arith.index_cast %mul3A_238 : i32 to index
      %get3A_240 = arith.constant 0 : index
      %get3A_241 = vector.load %arg3[%get3A_239, %get3A_240] : memref<16384x128xf32, #tpu.memory_space<vmem>>, vector<8x128xf32>
      %lt3A_242 = arith.cmpf olt, %get3A_241, %broadcast_in_dim3A_116 : vector<8x128xf32>
      %jit3A_243 = arith.constant 1.000000e+00 : f32
      %jit3A_244 = arith.constant 0.000000e+00 : f32
      %broadcast_in_dim3A_245 = vector.broadcast %jit3A_243 : f32 to vector<8x128xf32>
      %broadcast_in_dim3A_246 = vector.broadcast %jit3A_244 : f32 to vector<8x128xf32>
      %select_n3A_247 = arith.select %lt3A_242, %broadcast_in_dim3A_245, %broadcast_in_dim3A_246 : vector<8x128xi1>, vector<8x128xf32>
      %add3A_248 = arith.addf %add3A_227, %select_n3A_247 : vector<8x128xf32>
      %lt3A_249 = arith.cmpf olt, %get3A_241, %broadcast_in_dim3A_119 : vector<8x128xf32>
      %jit3A_250 = arith.constant 1.000000e+00 : f32
      %jit3A_251 = arith.constant 0.000000e+00 : f32
      %broadcast_in_dim3A_252 = vector.broadcast %jit3A_250 : f32 to vector<8x128xf32>
      %broadcast_in_dim3A_253 = vector.broadcast %jit3A_251 : f32 to vector<8x128xf32>
      %select_n3A_254 = arith.select %lt3A_249, %broadcast_in_dim3A_252, %broadcast_in_dim3A_253 : vector<8x128xi1>, vector<8x128xf32>
      %add3A_255 = arith.addf %add3A_234, %select_n3A_254 : vector<8x128xf32>
      %scan3A_256 = arith.constant 4 : i32
      %scan3A_257 = arith.addi %scan3A_174, %scan3A_256 : i32
      %mul3A_258 = arith.constant 8 : i32
      %mul3A_259 = arith.muli %scan3A_257, %mul3A_258 : i32
      %get3A_260 = arith.index_cast %mul3A_259 : i32 to index
      %get3A_261 = arith.constant 0 : index
      %get3A_262 = vector.load %arg3[%get3A_260, %get3A_261] : memref<16384x128xf32, #tpu.memory_space<vmem>>, vector<8x128xf32>
      %lt3A_263 = arith.cmpf olt, %get3A_262, %broadcast_in_dim3A_116 : vector<8x128xf32>
      %jit3A_264 = arith.constant 1.000000e+00 : f32
      %jit3A_265 = arith.constant 0.000000e+00 : f32
      %broadcast_in_dim3A_266 = vector.broadcast %jit3A_264 : f32 to vector<8x128xf32>
      %broadcast_in_dim3A_267 = vector.broadcast %jit3A_265 : f32 to vector<8x128xf32>
      %select_n3A_268 = arith.select %lt3A_263, %broadcast_in_dim3A_266, %broadcast_in_dim3A_267 : vector<8x128xi1>, vector<8x128xf32>
      %add3A_269 = arith.addf %add3A_248, %select_n3A_268 : vector<8x128xf32>
      %lt3A_270 = arith.cmpf olt, %get3A_262, %broadcast_in_dim3A_119 : vector<8x128xf32>
      %jit3A_271 = arith.constant 1.000000e+00 : f32
      %jit3A_272 = arith.constant 0.000000e+00 : f32
      %broadcast_in_dim3A_273 = vector.broadcast %jit3A_271 : f32 to vector<8x128xf32>
      %broadcast_in_dim3A_274 = vector.broadcast %jit3A_272 : f32 to vector<8x128xf32>
      %select_n3A_275 = arith.select %lt3A_270, %broadcast_in_dim3A_273, %broadcast_in_dim3A_274 : vector<8x128xi1>, vector<8x128xf32>
      %add3A_276 = arith.addf %add3A_255, %select_n3A_275 : vector<8x128xf32>
      %scan3A_277 = arith.constant 5 : i32
      %scan3A_278 = arith.addi %scan3A_174, %scan3A_277 : i32
      %mul3A_279 = arith.constant 8 : i32
      %mul3A_280 = arith.muli %scan3A_278, %mul3A_279 : i32
      %get3A_281 = arith.index_cast %mul3A_280 : i32 to index
      %get3A_282 = arith.constant 0 : index
      %get3A_283 = vector.load %arg3[%get3A_281, %get3A_282] : memref<16384x128xf32, #tpu.memory_space<vmem>>, vector<8x128xf32>
      %lt3A_284 = arith.cmpf olt, %get3A_283, %broadcast_in_dim3A_116 : vector<8x128xf32>
      %jit3A_285 = arith.constant 1.000000e+00 : f32
      %jit3A_286 = arith.constant 0.000000e+00 : f32
      %broadcast_in_dim3A_287 = vector.broadcast %jit3A_285 : f32 to vector<8x128xf32>
      %broadcast_in_dim3A_288 = vector.broadcast %jit3A_286 : f32 to vector<8x128xf32>
      %select_n3A_289 = arith.select %lt3A_284, %broadcast_in_dim3A_287, %broadcast_in_dim3A_288 : vector<8x128xi1>, vector<8x128xf32>
      %add3A_290 = arith.addf %add3A_269, %select_n3A_289 : vector<8x128xf32>
      %lt3A_291 = arith.cmpf olt, %get3A_283, %broadcast_in_dim3A_119 : vector<8x128xf32>
      %jit3A_292 = arith.constant 1.000000e+00 : f32
      %jit3A_293 = arith.constant 0.000000e+00 : f32
      %broadcast_in_dim3A_294 = vector.broadcast %jit3A_292 : f32 to vector<8x128xf32>
      %broadcast_in_dim3A_295 = vector.broadcast %jit3A_293 : f32 to vector<8x128xf32>
      %select_n3A_296 = arith.select %lt3A_291, %broadcast_in_dim3A_294, %broadcast_in_dim3A_295 : vector<8x128xi1>, vector<8x128xf32>
      %add3A_297 = arith.addf %add3A_276, %select_n3A_296 : vector<8x128xf32>
      %scan3A_298 = arith.constant 6 : i32
      %scan3A_299 = arith.addi %scan3A_174, %scan3A_298 : i32
      %mul3A_300 = arith.constant 8 : i32
      %mul3A_301 = arith.muli %scan3A_299, %mul3A_300 : i32
      %get3A_302 = arith.index_cast %mul3A_301 : i32 to index
      %get3A_303 = arith.constant 0 : index
      %get3A_304 = vector.load %arg3[%get3A_302, %get3A_303] : memref<16384x128xf32, #tpu.memory_space<vmem>>, vector<8x128xf32>
      %lt3A_305 = arith.cmpf olt, %get3A_304, %broadcast_in_dim3A_116 : vector<8x128xf32>
      %jit3A_306 = arith.constant 1.000000e+00 : f32
      %jit3A_307 = arith.constant 0.000000e+00 : f32
      %broadcast_in_dim3A_308 = vector.broadcast %jit3A_306 : f32 to vector<8x128xf32>
      %broadcast_in_dim3A_309 = vector.broadcast %jit3A_307 : f32 to vector<8x128xf32>
      %select_n3A_310 = arith.select %lt3A_305, %broadcast_in_dim3A_308, %broadcast_in_dim3A_309 : vector<8x128xi1>, vector<8x128xf32>
      %add3A_311 = arith.addf %add3A_290, %select_n3A_310 : vector<8x128xf32>
      %lt3A_312 = arith.cmpf olt, %get3A_304, %broadcast_in_dim3A_119 : vector<8x128xf32>
      %jit3A_313 = arith.constant 1.000000e+00 : f32
      %jit3A_314 = arith.constant 0.000000e+00 : f32
      %broadcast_in_dim3A_315 = vector.broadcast %jit3A_313 : f32 to vector<8x128xf32>
      %broadcast_in_dim3A_316 = vector.broadcast %jit3A_314 : f32 to vector<8x128xf32>
      %select_n3A_317 = arith.select %lt3A_312, %broadcast_in_dim3A_315, %broadcast_in_dim3A_316 : vector<8x128xi1>, vector<8x128xf32>
      %add3A_318 = arith.addf %add3A_297, %select_n3A_317 : vector<8x128xf32>
      %scan3A_319 = arith.constant 7 : i32
      %scan3A_320 = arith.addi %scan3A_174, %scan3A_319 : i32
      %mul3A_321 = arith.constant 8 : i32
      %mul3A_322 = arith.muli %scan3A_320, %mul3A_321 : i32
      %get3A_323 = arith.index_cast %mul3A_322 : i32 to index
      %get3A_324 = arith.constant 0 : index
      %get3A_325 = vector.load %arg3[%get3A_323, %get3A_324] : memref<16384x128xf32, #tpu.memory_space<vmem>>, vector<8x128xf32>
      %lt3A_326 = arith.cmpf olt, %get3A_325, %broadcast_in_dim3A_116 : vector<8x128xf32>
      %jit3A_327 = arith.constant 1.000000e+00 : f32
      %jit3A_328 = arith.constant 0.000000e+00 : f32
      %broadcast_in_dim3A_329 = vector.broadcast %jit3A_327 : f32 to vector<8x128xf32>
      %broadcast_in_dim3A_330 = vector.broadcast %jit3A_328 : f32 to vector<8x128xf32>
      %select_n3A_331 = arith.select %lt3A_326, %broadcast_in_dim3A_329, %broadcast_in_dim3A_330 : vector<8x128xi1>, vector<8x128xf32>
      %add3A_332 = arith.addf %add3A_311, %select_n3A_331 : vector<8x128xf32>
      %lt3A_333 = arith.cmpf olt, %get3A_325, %broadcast_in_dim3A_119 : vector<8x128xf32>
      %jit3A_334 = arith.constant 1.000000e+00 : f32
      %jit3A_335 = arith.constant 0.000000e+00 : f32
      %broadcast_in_dim3A_336 = vector.broadcast %jit3A_334 : f32 to vector<8x128xf32>
      %broadcast_in_dim3A_337 = vector.broadcast %jit3A_335 : f32 to vector<8x128xf32>
      %select_n3A_338 = arith.select %lt3A_333, %broadcast_in_dim3A_336, %broadcast_in_dim3A_337 : vector<8x128xi1>, vector<8x128xf32>
      %add3A_339 = arith.addf %add3A_318, %select_n3A_338 : vector<8x128xf32>
      scf.yield %add3A_332, %add3A_339 : vector<8x128xf32>, vector<8x128xf32>
    }
    %scan3A_129 = arith.constant 2048 : i32
    %reduce_sum3A_130 = arith.constant dense<0.000000e+00> : vector<128xf32>
    %reduce_sum3A_131 = vector.multi_reduction <add>, %scan3A_128#0, %reduce_sum3A_130 [0] : vector<8x128xf32> to vector<128xf32>
    %broadcast_in_dim3A_132 = vector.shape_cast %reduce_sum3A_131 : vector<128xf32> to vector<1x128xf32>
    %reduce_sum3A_133 = arith.constant dense<0.000000e+00> : vector<128xf32>
    %reduce_sum3A_134 = vector.multi_reduction <add>, %scan3A_128#1, %reduce_sum3A_133 [0] : vector<8x128xf32> to vector<128xf32>
    %broadcast_in_dim3A_135 = vector.shape_cast %reduce_sum3A_134 : vector<128xf32> to vector<1x128xf32>
    %slice3A_136 = vector.extract_strided_slice %get3A_4 {offsets = [6, 0], sizes = [1, 128], strides = [1, 1]} : vector<8x128xf32> to vector<1x128xf32>
    %mul3A_137 = arith.mulf %slice3A_136, %broadcast_in_dim3A_132 : vector<1x128xf32>
    %reduce_sum3A_138 = vector.shape_cast %mul3A_137 : vector<1x128xf32> to vector<1x1x128xf32>
    %reduce_sum3A_139 = arith.constant dense<0.000000e+00> : vector<1xf32>
    %reduce_sum3A_140 = vector.multi_reduction <add>, %reduce_sum3A_138, %reduce_sum3A_139 [1, 2] : vector<1x1x128xf32> to vector<1xf32>
    %reduce_sum3A_141 = vector.shape_cast %reduce_sum3A_140 : vector<1xf32> to vector<1x1x1xf32>
    %reduce_sum3A_142 = vector.extract %reduce_sum3A_141[0, 0, 0] : f32 from vector<1x1x1xf32>
    %add3A_143 = arith.addf %add3A_113, %reduce_sum3A_142 : f32
    %slice3A_144 = vector.extract_strided_slice %get3A_4 {offsets = [7, 0], sizes = [1, 128], strides = [1, 1]} : vector<8x128xf32> to vector<1x128xf32>
    %mul3A_145 = arith.mulf %slice3A_144, %broadcast_in_dim3A_135 : vector<1x128xf32>
    %reduce_sum3A_146 = vector.shape_cast %mul3A_145 : vector<1x128xf32> to vector<1x1x128xf32>
    %reduce_sum3A_147 = arith.constant dense<0.000000e+00> : vector<1xf32>
    %reduce_sum3A_148 = vector.multi_reduction <add>, %reduce_sum3A_146, %reduce_sum3A_147 [1, 2] : vector<1x1x128xf32> to vector<1xf32>
    %reduce_sum3A_149 = vector.shape_cast %reduce_sum3A_148 : vector<1xf32> to vector<1x1x1xf32>
    %reduce_sum3A_150 = vector.extract %reduce_sum3A_149[0, 0, 0] : f32 from vector<1x1x1xf32>
    %add3A_151 = arith.addf %add3A_143, %reduce_sum3A_150 : f32
    %reduce_sum3A_152 = vector.shape_cast %get3A_4 : vector<8x128xf32> to vector<1x8x128xf32>
    %reduce_sum3A_153 = arith.constant dense<0.000000e+00> : vector<1xf32>
    %reduce_sum3A_154 = vector.multi_reduction <add>, %reduce_sum3A_152, %reduce_sum3A_153 [1, 2] : vector<1x8x128xf32> to vector<1xf32>
    %reduce_sum3A_155 = vector.shape_cast %reduce_sum3A_154 : vector<1xf32> to vector<1x1x1xf32>
    %reduce_sum3A_156 = vector.extract %reduce_sum3A_155[0, 0, 0] : f32 from vector<1x1x1xf32>
    %eq3A = arith.constant 0 : i32
    %eq3A_157 = arith.cmpi eq, %arg0, %eq3A : i32
    %convert_element_type3A = arith.extui %eq3A_157 : i1 to i32
    %cond3A = arith.constant 0 : i32
    %cond3A_158 = arith.cmpi ne, %convert_element_type3A, %cond3A : i32
    scf.if %cond3A_158 {
      %broadcast_in_dim3A_174 = arith.constant 0.000000e+00 : f32
      %broadcast_in_dim3A_175 = vector.broadcast %broadcast_in_dim3A_174 : f32 to vector<1x128xf32>
      %swap3A_176 = arith.constant 0 : index
      %swap3A_177 = arith.constant 0 : index
      %swap3A_178 = vector.load %arg4[%swap3A_176, %swap3A_177] : memref<1x128xf32, #tpu.memory_space<vmem>>, vector<1x128xf32>
      tpu.vector_store %arg4[%swap3A_176, %swap3A_177], %broadcast_in_dim3A_175 {strides = array<i32>} : memref<1x128xf32, #tpu.memory_space<vmem>>, vector<1x128xf32>,
      %broadcast_in_dim3A_179 = arith.constant 0.000000e+00 : f32
      %broadcast_in_dim3A_180 = vector.broadcast %broadcast_in_dim3A_179 : f32 to vector<1x128xf32>
      %swap3A_181 = arith.constant 0 : index
      %swap3A_182 = arith.constant 0 : index
      %swap3A_183 = vector.load %arg5[%swap3A_181, %swap3A_182] : memref<1x128xf32, #tpu.memory_space<vmem>>, vector<1x128xf32>
      tpu.vector_store %arg5[%swap3A_181, %swap3A_182], %broadcast_in_dim3A_180 {strides = array<i32>} : memref<1x128xf32, #tpu.memory_space<vmem>>, vector<1x128xf32>,
    } else {
    }
    %get3A_159 = arith.constant 0 : index
    %get3A_160 = arith.constant 0 : index
    %get3A_161 = vector.load %arg4[%get3A_159, %get3A_160] : memref<1x128xf32, #tpu.memory_space<vmem>>, vector<1x128xf32>
    %broadcast_in_dim3A_162 = vector.broadcast %add3A_151 : f32 to vector<1x128xf32>
    %add3A_163 = arith.addf %get3A_161, %broadcast_in_dim3A_162 : vector<1x128xf32>
    %swap3A = arith.constant 0 : index
    %swap3A_164 = arith.constant 0 : index
    %swap3A_165 = vector.load %arg4[%swap3A, %swap3A_164] : memref<1x128xf32, #tpu.memory_space<vmem>>, vector<1x128xf32>
    tpu.vector_store %arg4[%swap3A, %swap3A_164], %add3A_163 {strides = array<i32>} : memref<1x128xf32, #tpu.memory_space<vmem>>, vector<1x128xf32>,
    %get3A_166 = arith.constant 0 : index
    %get3A_167 = arith.constant 0 : index
    %get3A_168 = vector.load %arg5[%get3A_166, %get3A_167] : memref<1x128xf32, #tpu.memory_space<vmem>>, vector<1x128xf32>
    %broadcast_in_dim3A_169 = vector.broadcast %reduce_sum3A_156 : f32 to vector<1x128xf32>
    %add3A_170 = arith.addf %get3A_168, %broadcast_in_dim3A_169 : vector<1x128xf32>
    %swap3A_171 = arith.constant 0 : index
    %swap3A_172 = arith.constant 0 : index
    %swap3A_173 = vector.load %arg5[%swap3A_171, %swap3A_172] : memref<1x128xf32, #tpu.memory_space<vmem>>, vector<1x128xf32>
    tpu.vector_store %arg5[%swap3A_171, %swap3A_172], %add3A_170 {strides = array<i32>} : memref<1x128xf32, #tpu.memory_space<vmem>>, vector<1x128xf32>,
    return
  }
  func.func @transform_0(%arg0: i32) -> (i32, i32) {
    %c0_i32 = arith.constant 0 : i32
    %c0_i32_0 = arith.constant 0 : i32
    return %arg0, %c0_i32 : i32, i32
  }
  func.func @transform_1(%arg0: i32) -> (i32, i32) {
    %c0_i32 = arith.constant 0 : i32
    %c0_i32_0 = arith.constant 0 : i32
    return %arg0, %c0_i32 : i32, i32
  }
  func.func @transform_2(%arg0: i32) -> (i32, i32) {
    %c0_i32 = arith.constant 0 : i32
    %c0_i32_0 = arith.constant 0 : i32
    %c0_i32_1 = arith.constant 0 : i32
    return %c0_i32, %c0_i32_0 : i32, i32
  }
  func.func @transform_3(%arg0: i32) -> (i32, i32) {
    %c0_i32 = arith.constant 0 : i32
    %c0_i32_0 = arith.constant 0 : i32
    %c0_i32_1 = arith.constant 0 : i32
    return %c0_i32, %c0_i32_0 : i32, i32
  }
  func.func @transform_4(%arg0: i32) -> (i32, i32) {
    %c0_i32 = arith.constant 0 : i32
    %c0_i32_0 = arith.constant 0 : i32
    %c0_i32_1 = arith.constant 0 : i32
    return %c0_i32, %c0_i32_0 : i32, i32
  }
}

</mosaic_0001>

<sc_bundles>
// kernel: kernel.5.cloned.1.call-start
scs
__scs_entry_jumppad:
0x0: {  	(pc) =	sbr.rel $0x88, $3  }
0x1: {  	(tag) =	ssettag $0x0;
	lr =	simm.s32 $0x1  }
0x2: {  	[smem:$0x3F86] =	sst lr;
	_ =	strace $0xD0000000  }
0x3: {  	_ = 	snop  }
0x4: {  	_ = 	snop  }
0x5: {  	_ = 	snop  }
0x6: {  	_ = 	snop  }
0x7: {  	_ = 	snop  }
__scs_overlays_trampoline_lowered:
0x8: {  	[smem:$0x3F95] =	sst s0  }
0x9: {  	[smem:$0x3F96] =	sst s1  }
0xa: {  	[smem:$0x3F97] =	sst s2  }
0xb: {  	[smem:$0x3F98] =	sst s3  }
0xc: {  	[smem:$0x3F99] =	sst s4  }
0xd: {  	[smem:$0x3F9A] =	sst s5  }
0xe: {  	[smem:$0x3F9B] =	sst s6  }
0xf: {  	[smem:$0x3F9C] =	sst s7  }
0x10: {  	[smem:$0x3F9D] =	sst s8  }
0x11: {  	[smem:$0x3F9E] =	sst s9;
	s0 =	simm.s32 @!p0 $0x0  }
0x12: {  	s1 =	sld [smem:$0x3F84];
	s0 =	simm.s32 @p0 $0x1  }
0x13: {  	[smem:$0x3F9F] =	sst s0;
	s0 =	simm.s32 @!p1 $0x0  }
0x14: {  	s2 =	sld [smem:$0x3F83];
	s0 =	simm.s32 @p1 $0x1  }
0x15: {  	[smem:$0x3FA0] =	sst s0;
	s0 =	simm.s32 @!p2 $0x0  }
0x16: {  	s3 =	sld [smem:$0x3FDB];
	s0 =	simm.s32 @p2 $0x1  }
0x17: {  	s4 =	simm.s32 $0x1BF5;
	[smem:$0x3FA2] =	sst s0  }
0x18: {  	s0 =	sld [smem:$0x3F85];
	_ =	swait.ge [sflag:s4], $0x0  }
0x19: {  	s7 =	sld [smem:$0x3F86]  }
0x1a: {  	s8 =	sadd.s32 $0xFFFFE003, lr  }
0x1b: {  	s9 =	sadd.s32 $0xFFFFFEF7, lr;
	s5 =	simm.s32 $0xFFFFFFFF;
	p2 =	slt.u32 s8, $0xFFFFF086  }
0x1c: {  	p1 =	slt.u32 s9, $0xF7A;
	s5 =	simm.s32 @!p2 $0x0  }
0x1d: {  	s5 =	simm.s32 @p1 $0x1;
	p0 =	seq.s32 s7, s2  }
0x1e: {  	s7 =	smul.u32 @!p0 $0xF7A, s2;
	p2 =	seq.s32 @!p0 s5, $0x0  }
0x1f: {  	s9 =	smul.u32 $0xF7A, s1;
	s8 =	simm.s32 @!p0 $0x1BF5;
	p2 =	por !p2, p0  }
0x20: {  	[sflag:s8] =	ssyncset.s32 @!p0 $0xFFFFF086;
	s6 =	sadd.s32 @!p0 s3, s7;
	s7 =	simm.s32 @!p0 $0x108  }
0x21: {  	s3 =	sadd.s32 s3, s9;
	s6 =	sadd.s32 @!p0 $0x88, s6;
	s7 =	simm.s32 @p2 $0x1082  }
0x22: {  	[simem:s7], [sflag:s8] =	dma.local @!p0 [hbm:s6], $0xF7A  }
0x23: {  	s9 =	sor.u32 $0xD0000000, s2;
	s6 =	simm.s32 $0x108;
	_ =	swait.ge @!p0 [sflag:s8], $0x0  }
0x24: {  	s3 =	sadd.s32 $0x88, s3;
	s6 =	simm.s32 @!p1 $0x1082;
	[sflag:s4] =	ssyncset.s32 $0xFFFFF086  }
0x25: {  	[simem:s6], [sflag:s4] =	dma.local [hbm:s3], $0xF7A  }
0x26: {  	[smem:$0x3F86] =	sst s1;
	(tag) =	ssettag s2;
	_ =	strace s9  }
0x27: {  	s1 =	sld [smem:$0x3F96]  }
0x28: {  	s2 =	sld [smem:$0x3F97]  }
0x29: {  	s4 =	sld [smem:$0x3F99]  }
0x2a: {  	p0 =	seq.s32 s5, $0x0;
	s5 =	sld [smem:$0x3F9A]  }
0x2b: {  	s6 =	sld [smem:$0x3F9B]  }
0x2c: {  	s7 =	sld [smem:$0x3F9C]  }
0x2d: {  	s3 =	simm.s32 $0x108;
	s8 =	sld [smem:$0x3F9D]  }
0x2e: {  	s3 =	simm.s32 @!p0 $0x1082;
	s9 =	sld [smem:$0x3F9E]  }
0x2f: {  	lr =	sadd.s32 s0, s3;
	s0 =	sld [smem:$0x3F95]  }
0x30: {  	s3 =	sld [smem:$0x3F98]  }
0x31: {  	[smem:$0x3FA1] =	sst s10  }
0x32: {  	s10 =	sld [smem:$0x3F9F];
	_ =	sdelay $0x3  }
0x33: {  	p0 =	seq.s32 s10, $0x1;
	s10 =	sld [smem:$0x3FA1];
	_ =	sdelay $0x3  }
0x34: {  	[smem:$0x3FA1] =	sst s10  }
0x35: {  	s10 =	sld [smem:$0x3FA0];
	_ =	sdelay $0x3  }
0x36: {  	p1 =	seq.s32 s10, $0x1;
	s10 =	sld [smem:$0x3FA1];
	_ =	sdelay $0x3  }
0x37: {  	[smem:$0x3FA1] =	sst s10  }
0x38: {  	s10 =	sld [smem:$0x3FA2]  }
0x39: {  	_ = 	snop;
	(pc) =	sbr.ind lr, $3  }
0x3a: {  	_ = 	snop  }
0x3b: {  	_ = 	snop  }
0x3c: {  	p2 =	seq.s32 s10, $0x1;
	s10 =	sld [smem:$0x3FA1]  }
0x3d: {  	_ =	shalt  }
0x3e: {  	_ =	shalt  }
0x3f: {  	_ =	shalt  }
0x40: {  	_ =	shalt  }
0x41: {  	_ =	shalt  }
0x42: {  	_ =	shalt  }
0x43: {  	_ =	shalt  }
0x44: {  	_ =	shalt  }
0x45: {  	_ =	shalt  }
0x46: {  	_ =	shalt  }
0x47: {  	_ =	shalt  }
0x48: {  	_ =	shalt  }
0x49: {  	_ =	shalt  }
0x4a: {  	_ =	shalt  }
0x4b: {  	_ =	shalt  }
0x4c: {  	_ =	shalt  }
0x4d: {  	_ =	shalt  }
0x4e: {  	_ =	shalt  }
0x4f: {  	_ =	shalt  }
0x50: {  	_ =	shalt  }
0x51: {  	_ =	shalt  }
0x52: {  	_ =	shalt  }
0x53: {  	_ =	shalt  }
0x54: {  	_ =	shalt  }
0x55: {  	_ =	shalt  }
0x56: {  	_ =	shalt  }
0x57: {  	_ =	shalt  }
0x58: {  	_ =	shalt  }
0x59: {  	_ =	shalt  }
0x5a: {  	_ =	shalt  }
0x5b: {  	_ =	shalt  }
0x5c: {  	_ =	shalt  }
0x5d: {  	_ =	shalt  }
0x5e: {  	_ =	shalt  }
0x5f: {  	_ =	shalt  }
0x60: {  	_ =	shalt  }
0x61: {  	_ =	shalt  }
0x62: {  	_ =	shalt  }
0x63: {  	_ =	shalt  }
0x64: {  	_ =	shalt  }
0x65: {  	_ =	shalt  }
0x66: {  	_ =	shalt  }
0x67: {  	_ =	shalt  }
0x68: {  	_ =	shalt  }
0x69: {  	_ =	shalt  }
0x6a: {  	_ =	shalt  }
0x6b: {  	_ =	shalt  }
0x6c: {  	_ =	shalt  }
0x6d: {  	_ =	shalt  }
0x6e: {  	_ =	shalt  }
0x6f: {  	_ =	shalt  }
0x70: {  	_ =	shalt  }
0x71: {  	_ =	shalt  }
0x72: {  	_ =	shalt  }
0x73: {  	_ =	shalt  }
0x74: {  	_ =	shalt  }
0x75: {  	_ =	shalt  }
0x76: {  	_ =	shalt  }
0x77: {  	_ =	shalt  }
0x78: {  	_ =	shalt  }
0x79: {  	_ =	shalt  }
0x7a: {  	_ =	shalt  }
0x7b: {  	_ =	shalt  }
0x7c: {  	_ =	shalt  }
0x7d: {  	_ =	shalt  }
0x7e: {  	_ =	shalt  }
0x7f: {  	_ =	shalt  }
0x80: {  	_ =	shalt  }
0x81: {  	_ =	shalt  }
0x82: {  	_ =	shalt  }
0x83: {  	_ =	shalt  }
0x84: {  	_ =	shalt  }
0x85: {  	_ =	shalt  }
0x86: {  	_ =	shalt  }
0x87: {  	_ =	shalt  }
.Lfunc_end0:
.L_simem_size_0:
called_computation_lowered:
.L_overlay_start_0:
0x88: {  	s2 =	sld [smem:$0x3FD9]  }
0x89: {  	s3 =	sld [smem:$0x3FFE];
	_ =	sdelay $0x1  }
0x8a: {  	s1 =	srdreg.scid  }
0x8b: {  	s0 =	sand.u32 $0x1, s1  }
0x8c: {  	s16 =	sshll.u32 s0, $0xA;
	s2 =	sadd.s32 s3, s2  }
0x8d: {  	s2 =	sadd.s32 s2, s16  }
0x8e: {  	[smem:$0x3FAD] =	sst s2  }
0x8f: {  	_ = 	snop  }
0x90: {  	(tm) =	ssettm $0x1  }
0x91: {  	s17 =	sld [smem:$0x3FFB];
	_ =	sdelay $0x3  }
0x92: {  	_ =	strace s17  }
0x93: {  	s2 =	sld [smem:$0x3FFC];
	_ =	sdelay $0x3  }
0x94: {  	_ =	strace s2  }
0x95: {  	s2 =	sld [smem:$0x3FFD];
	_ =	sdelay $0x3  }
0x96: {  	_ =	strace s2  }
0x97: {  	_ =	strace $0x8FFFFFFF  }
0x98: {  	s18 =	sld [smem:$0x3FDB];
	_ =	sdelay $0x1  }
0x99: {  	s19 =	simm.s32 $_scs_section_size  }
0x9a: {  	s4 =	simm.s32 $_size__tile_overlayer_lowered;
	s5 =	simm.s32 $_tile_overlayer_lowered  }
0x9b: {  	s22 =	simm.s32 $0x1BFF;
	s21 =	sshll.u32 s5, $0x1;
	s2 =	sadd.s32 s19, s18  }
0x9c: {  	s6 =	simm.s32 $0x0;
	s20 =	sshll.u32 s4, $0x1;
	s4 =	sadd.s32 s21, s2  }
0x9d: {  	[timem:s6], [sflag:s22] =	dma.local [hbm:s4], s20  }
0x9e: {  	_ =	swait.ge [sflag:s22], s20  }
0x9f: {  	s3 =	ssub.s32 $0x0, s20;
	[sflag:s22] =	ssyncset.done $0x0  }
0xa0: {  	[sflag:s22] =	ssyncadd.s32 s3;
	_ =	sdelay $0x1  }
0xa1: {  	s23 =	simm.s32 $0x1B8B  }
0xa2: {  	_ =	swait.ge [sflag:s23], $0x1  }
0xa3: {  	[sflag:s23] =	ssyncset.done $0x0  }
0xa4: {  	s25 =	simm.s32 $0x1B8E;
	s24 =	sld [smem:$0x3FFE];
	[sflag:s23] =	ssyncadd.s32 $0xFFFFFFFF  }
0xa5: {  	s26 =	simm.s32 $execute0_lowered;
	[smem:$0x3FD2] =	sst s25  }
0xa6: {  	s4 =	sshll.u32 s26, $0x1;
	_ =	strace $0x80000046;
	[dreg:$0x1] =	wrdreg $0xFFFFFFFF  }
0xa7: {  	s28 =	simm.s32 $_size_execute0_lowered;
	s2 =	sadd.s32 s2, s4;
	[dreg:$0x0] =	wrdreg $0x0  }
0xa8: {  	s4 =	sshll.u32 s28, $0x1;
	[dreg:$0x2] =	wrdreg s2  }
0xa9: {  	[dreg:$0x3] =	wrdreg s4  }
0xaa: {  	[dreg:$0x4] =	wrdreg $0xC0  }
0xab: {  	_ =	task [dreg:s6], $0x5FFFF  }
0xac: {  	[dreg:$0x1] =	wrdreg $0xFFFFFFFF  }
0xad: {  	[dreg:$0x0] =	wrdreg $0x60  }
0xae: {  	[dreg:$0x2] =	wrdreg s24  }
0xaf: {  	[dreg:$0x3] =	wrdreg $0x9  }
0xb0: {  	_ =	task.clear_ibuf [dreg:s6], $0x4FFFF;
	_ =	strace $0x90000046  }
0xb1: {  	s29 =	simm.s32 $0x9;
	_ =	strace $0x80000048  }
0xb2: {  	_ =	swait.ge [sflag:s29], $0x1  }
0xb3: {  	[sflag:s29] =	ssyncadd.s32 $0xFFFFFFFF  }
0xb4: {  	_ =	strace $0x90000048  }
0xb5: {  	_ =	sfence  }
0xb6: {  	s30 =	sld [smem:$0x0];
	_ =	sdelay $0x2  }
0xb7: {  	s31 =	sshll.u32 s1, $0xD;
	s1 =	sshrl.u32 s1, $0x2  }
0xb8: {  	s3 =	sand.u32 $0x4000, s31;
	s1 =	sadd.s32 s1, s30  }
0xb9: {  	s0 =	sor.u32 s3, s0;
	s1 =	sshll.u32 s1, $0x11  }
0xba: {  	s0 =	sor.u32 s1, s0  }
0xbb: {  	s0 =	sadd.s32 $0x8F2B, s0  }
0xbc: {  	[sflag:s0] =	ssyncadd.remote.s32 $0x1  }
0xbd: {  	_ =	sfence.sel $0xFFFF  }
0xbe: {  	[dreg:$0x0] =	wrdreg $0xFFFFFFFF;
	(pc) =	sbr.abs _section_cstart, $3  }
0xbf: {  	[dreg:$0x1] =	wrdreg $0xFFFFFFFF  }
0xc0: {  	_ =	task.clear_ibuf [dreg:s6], $0x2FFFF;
	_ =	strace $0x9FFFFFFF  }
0xc1: {  	(tm) =	ssettm $0x7FFFFFFF  }
tec
execute0_lowered:
.L_overlay_start_1:
0x0: {  	(tag) =	ssettag $0x1  }
0x1: {  	s1 =	srdreg.scid;
	s0 =	stileid.u32  }
0x2: {  	s23 =	sand.u32 $0x1, s1;
	s30 =	sshll.u32 s0, $0x1  }
0x3: {  	s24 =	rddreg [dreg:$0x0];
	s25 =	sor.u32 s23, s30  }
0x4: {  	s2 =	simm.s32 $0x0;
	s1 =	rddreg [dreg:$0x1];
	s3 =	sshll.u32 s25, $0x7  }
0x5: {  	[smem:$0x7FF] =	sst s2;
	s3 =	sadd.s32 s3, s24  }
0x6: {  	_ =	strace $0x80000047;
	s4 =	sadd.s32 $0x3600, s3;
	s3 =	simm.s32 $0x2  }
0x7: {  	[tilespmem:s2], [sflag:$0x2] =	stream.linear.gather [hbm4b:s4+s2], $0x400, $0x38;
	[tilespmem:$0x4400] =	vst v63  }
0x8: {  	_ =	swait.ge [sflag:s3], $0x400  }
0x9: {  	s6 =	simm.s32 $0x80;
	[sflag:s3] =	ssyncset.done $0x0  }
0xa: {  	s7 =	simm.s32 $0x400;
	s5 =	sadd.s32 $0xF45A00, s24;
	[sflag:s3] =	ssyncadd.s32 $0xFFFFFC00  }
0xb: {  	[tilespmem:s7], [sflag:$0x1] =	stream.indirect.gather [hbm4b:s5+s6], $0x10, s2, s6, $0xb8;
	[tilespmem:$0x4400] =	vst v63  }
0xc: {  	s8 =	simm.s32 $0xC00  }
0xd: {  	[tilespmem:s8], [sflag:$0x1] =	stream.indirect.gather [hbm4b:s5+s6], $0x10, s6, s6, $0xb8;
	[tilespmem:$0x4400] =	vst v63  }
0xe: {  	s9 =	simm.s32 $0x100;
	s10 =	simm.s32 $0x1400  }
0xf: {  	[tilespmem:s10], [sflag:$0x1] =	stream.indirect.gather [hbm4b:s5+s6], $0x10, s9, s6, $0xb8;
	[tilespmem:$0x4400] =	vst v63  }
0x10: {  	s11 =	simm.s32 $0x180;
	s12 =	simm.s32 $0x1C00  }
0x11: {  	[tilespmem:s12], [sflag:$0x1] =	stream.indirect.gather [hbm4b:s5+s6], $0x10, s11, s6, $0xb8;
	[tilespmem:$0x4400] =	vst v63  }
0x12: {  	s14 =	simm.s32 $0x200;
	s15 =	simm.s32 $0x2400;
	s13 =	sadd.s32 $0x18A000, s24  }
0x13: {  	[tilespmem:s15], [sflag:$0x1] =	stream.indirect.gather [hbm4b:s13+s6], $0x10, s14, s6, $0xb8;
	[tilespmem:$0x4400] =	vst v63  }
0x14: {  	s16 =	simm.s32 $0x280;
	s17 =	simm.s32 $0x2C00  }
0x15: {  	[tilespmem:s17], [sflag:$0x1] =	stream.indirect.gather [hbm4b:s13+s6], $0x10, s16, s6, $0xb8;
	[tilespmem:$0x4400] =	vst v63  }
0x16: {  	s18 =	simm.s32 $0x300;
	s19 =	simm.s32 $0x3400  }
0x17: {  	[tilespmem:s19], [sflag:$0x1] =	stream.indirect.gather [hbm4b:s13+s6], $0x10, s18, s6, $0xb8;
	[tilespmem:$0x4400] =	vst v63  }
0x18: {  	s20 =	simm.s32 $0x380;
	s21 =	simm.s32 $0x3C00;
	s22 =	simm.s32 $0x1  }
0x19: {  	[tilespmem:s21], [sflag:$0x1] =	stream.indirect.gather [hbm4b:s13+s6], $0x10, s20, s6, $0xb8;
	[tilespmem:$0x4400] =	vst v63  }
0x1a: {  	_ =	swait.ge [sflag:s22], $0x800  }
0x1b: {  	[sflag:s22] =	ssyncset.done $0x0  }
0x1c: {  	[sflag:s22] =	ssyncadd.s32 $0xFFFFF800  }
0x1d: {  	_ =	swait.ge [sflag:s22], $0x800  }
0x1e: {  	[sflag:s22] =	ssyncset.done $0x0  }
0x1f: {  	[sflag:s22] =	ssyncadd.s32 $0xFFFFF800  }
0x20: {  	_ =	swait.ge [sflag:s22], $0x800  }
0x21: {  	[sflag:s22] =	ssyncset.done $0x0  }
0x22: {  	[sflag:s22] =	ssyncadd.s32 $0xFFFFF800  }
0x23: {  	_ =	swait.ge [sflag:s22], $0x800  }
0x24: {  	[sflag:s22] =	ssyncset.done $0x0  }
0x25: {  	[sflag:s22] =	ssyncadd.s32 $0xFFFFF800  }
0x26: {  	_ =	swait.ge [sflag:s22], $0x800  }
0x27: {  	[sflag:s22] =	ssyncset.done $0x0  }
0x28: {  	[sflag:s22] =	ssyncadd.s32 $0xFFFFF800  }
0x29: {  	_ =	swait.ge [sflag:s22], $0x800  }
0x2a: {  	[sflag:s22] =	ssyncset.done $0x0  }
0x2b: {  	[sflag:s22] =	ssyncadd.s32 $0xFFFFF800  }
0x2c: {  	_ =	swait.ge [sflag:s22], $0x800  }
0x2d: {  	[sflag:s22] =	ssyncset.done $0x0  }
0x2e: {  	s31 =	ssub.s32 $0x2, s23;
	[sflag:s22] =	ssyncadd.s32 $0xFFFFF800  }
0x2f: {  	s25 =	sshll.u32 s25, $0xA;
	s26 =	sshrl.u32 s31, $0x1;
	_ =	swait.ge [sflag:s22], $0x800  }
0x30: {  	s24 =	sadd.s32 s25, s24;
	s25 =	ssub.s32 s31, s26;
	[sflag:s22] =	ssyncset.done $0x0  }
0x31: {  	s23 =	sadd.s32 $0x4600, s24;
	s25 =	smax.u32 s25, $0x1;
	[sflag:s22] =	ssyncadd.s32 $0xFFFFF800  }
0x32: {  	[hbm4b:s23+s2] =	stream.linear.scatter [tilespmem:s7], [sflag:$0x2], $0x2000, $0x38;
	[tilespmem:$0x4400] =	vst v63  }
0x33: {  	p0 =	sne.s32 s25, $0x1;
	_ =	swait.ge [sflag:s3], $0x2000  }
.Ltmp0:
0x34: {  	[sflag:s3] =	ssyncset.done $0x0;
	(pc) =	sbr.rel @!p0 .LBB2_2-.Ltmp0, $4  }
0x35: {  	s24 =	sadd.s32 $0xC600, s24;
	[sflag:s3] =	ssyncadd.s32 $0xFFFFE000  }
0x36: {  	[hbm4b:s24+s2] =	stream.linear.scatter [tilespmem:s15], [sflag:$0x2], $0x2000, $0x38;
	[tilespmem:$0x4400] =	vst v63  }
0x37: {  	_ =	swait.ge [sflag:s3], $0x2000  }
0x38: {  	s25 =	sadd.s32 $0xFFFFFFFF, s25;
	[sflag:s3] =	ssyncset.done $0x0  }
.LBB2_1:
0x39: {  	p0 =	sne.s32 s25, $0x1;
	s25 =	sadd.s32 $0xFFFFFFFF, s25;
	[sflag:s3] =	ssyncadd.s32 $0xFFFFE000  }
0x3a: {  	[tilespmem:s2], [sflag:$0x2] =	stream.linear.gather [hbm4b:s4+s2], $0x400, $0x38;
	[tilespmem:$0x4400] =	vst v63  }
0x3b: {  	_ =	swait.ge [sflag:s3], $0x400  }
0x3c: {  	[sflag:s3] =	ssyncset.done $0x0  }
0x3d: {  	[sflag:s3] =	ssyncadd.s32 $0xFFFFFC00  }
0x3e: {  	[tilespmem:s7], [sflag:$0x1] =	stream.indirect.gather [hbm4b:s5+s6], $0x10, s2, s6, $0xb8;
	[tilespmem:$0x4400] =	vst v63  }
0x3f: {  	_ = 	snop  }
0x40: {  	[tilespmem:s8], [sflag:$0x1] =	stream.indirect.gather [hbm4b:s5+s6], $0x10, s6, s6, $0xb8;
	[tilespmem:$0x4400] =	vst v63  }
0x41: {  	_ = 	snop  }
0x42: {  	[tilespmem:s10], [sflag:$0x1] =	stream.indirect.gather [hbm4b:s5+s6], $0x10, s9, s6, $0xb8;
	[tilespmem:$0x4400] =	vst v63  }
0x43: {  	_ = 	snop  }
0x44: {  	[tilespmem:s12], [sflag:$0x1] =	stream.indirect.gather [hbm4b:s5+s6], $0x10, s11, s6, $0xb8;
	[tilespmem:$0x4400] =	vst v63  }
0x45: {  	_ = 	snop  }
0x46: {  	[tilespmem:s15], [sflag:$0x1] =	stream.indirect.gather [hbm4b:s13+s6], $0x10, s14, s6, $0xb8;
	[tilespmem:$0x4400] =	vst v63  }
0x47: {  	_ = 	snop  }
0x48: {  	[tilespmem:s17], [sflag:$0x1] =	stream.indirect.gather [hbm4b:s13+s6], $0x10, s16, s6, $0xb8;
	[tilespmem:$0x4400] =	vst v63  }
0x49: {  	_ = 	snop  }
0x4a: {  	[tilespmem:s19], [sflag:$0x1] =	stream.indirect.gather [hbm4b:s13+s6], $0x10, s18, s6, $0xb8;
	[tilespmem:$0x4400] =	vst v63  }
0x4b: {  	_ = 	snop  }
0x4c: {  	[tilespmem:s21], [sflag:$0x1] =	stream.indirect.gather [hbm4b:s13+s6], $0x10, s20, s6, $0xb8;
	[tilespmem:$0x4400] =	vst v63  }
0x4d: {  	_ =	swait.ge [sflag:s22], $0x800  }
0x4e: {  	[sflag:s22] =	ssyncset.done $0x0  }
0x4f: {  	[sflag:s22] =	ssyncadd.s32 $0xFFFFF800  }
0x50: {  	_ =	swait.ge [sflag:s22], $0x800  }
0x51: {  	[sflag:s22] =	ssyncset.done $0x0  }
0x52: {  	[sflag:s22] =	ssyncadd.s32 $0xFFFFF800  }
0x53: {  	_ =	swait.ge [sflag:s22], $0x800  }
0x54: {  	[sflag:s22] =	ssyncset.done $0x0  }
0x55: {  	[sflag:s22] =	ssyncadd.s32 $0xFFFFF800  }
0x56: {  	_ =	swait.ge [sflag:s22], $0x800  }
0x57: {  	[sflag:s22] =	ssyncset.done $0x0  }
0x58: {  	[sflag:s22] =	ssyncadd.s32 $0xFFFFF800  }
0x59: {  	_ =	swait.ge [sflag:s22], $0x800  }
0x5a: {  	[sflag:s22] =	ssyncset.done $0x0  }
0x5b: {  	[sflag:s22] =	ssyncadd.s32 $0xFFFFF800  }
0x5c: {  	_ =	swait.ge [sflag:s22], $0x800  }
0x5d: {  	[sflag:s22] =	ssyncset.done $0x0  }
0x5e: {  	[sflag:s22] =	ssyncadd.s32 $0xFFFFF800  }
0x5f: {  	_ =	swait.ge [sflag:s22], $0x800  }
0x60: {  	[sflag:s22] =	ssyncset.done $0x0  }
0x61: {  	[sflag:s22] =	ssyncadd.s32 $0xFFFFF800  }
0x62: {  	_ =	swait.ge [sflag:s22], $0x800  }
0x63: {  	[sflag:s22] =	ssyncset.done $0x0  }
0x64: {  	[sflag:s22] =	ssyncadd.s32 $0xFFFFF800  }
0x65: {  	[hbm4b:s23+s2] =	stream.linear.scatter [tilespmem:s7], [sflag:$0x2], $0x2000, $0x38;
	[tilespmem:$0x4400] =	vst v63  }
0x66: {  	_ =	swait.ge [sflag:s3], $0x2000  }
.Ltmp1:
0x67: {  	[sflag:s3] =	ssyncset.done $0x0;
	(pc) =	sbr.rel @p0 .LBB2_1-.Ltmp1, $4  }
0x68: {  	[sflag:s3] =	ssyncadd.s32 $0xFFFFE000  }
0x69: {  	[hbm4b:s24+s2] =	stream.linear.scatter [tilespmem:s15], [sflag:$0x2], $0x2000, $0x38;
	[tilespmem:$0x4400] =	vst v63  }
0x6a: {  	_ =	swait.ge [sflag:s3], $0x2000  }
0x6b: {  	[sflag:s3] =	ssyncset.done $0x0  }
.LBB2_2:
0x6c: {  	[sflag:s3] =	ssyncadd.s32 $0xFFFFE000  }
0x6d: {  	_ =	sfence.sel $0x180000  }
0x6e: {  	[bflag:$0x0] =	sbarrier.arrive $0xFFFF  }
0x6f: {  	p0 =	sne.s32 s0, $0x0;
	_ =	strace $0x90000047  }
0x70: {  	s0 =	sadd.s32 @!p0 $0x100000, s1;
	[bflag:$0x2] =	sbarrier.arrive $0xFFFF  }
0x71: {  	[sflag:s0] =	ssyncadd.tile.s32 @!p0 $0x1;
	_ =	shalt  }
.Lfunc_end2:
_tile_overlayer_lowered:
.L_overlay_start_2:
0x72: {  	(tag) =	ssettag $0x2  }
0x73: {  	s0 =	rddreg [dreg:$0x0];
	s2 =	stileid.u32  }
0x74: {  	s1 =	rddreg [dreg:$0x1];
	p0 =	sne.s32 s2, $0x0  }
0x75: {  	s3 =	rddreg [dreg:$0x2];
	[bflag:$0x3] =	sbarrier.arrive $0xFFFF;
	s2 =	simm.s32 @!p0 $0x1C02  }
0x76: {  	[timem:s3], [sflag:s2] =	dma.local @!p0 [hbm:s0], s1  }
0x77: {  	s0 =	simm.s32 @!p0 $0x2  }
0x78: {  	_ =	swait.ge @!p0 [sflag:s0], s1  }
0x79: {  	s1 =	ssub.s32 @!p0 $0x0, s1;
	[sflag:s0] =	ssyncset.done @!p0 $0x0  }
0x7a: {  	[sflag:s0] =	ssyncadd.s32 @!p0 s1  }
0x7b: {  	[bflag:$0x3] =	sbarrier.arrive $0xFFFF  }
0x7c: {  	_ =	shalt  }

</sc_bundles>
